<compile_context>
chip_gen: v7x
topology: tpu7x:2x2x1
jax: 0.10.2.dev20260603
libtpu: 0.0.44.dev20260713+nightly
codegen_flags: <defaults>
</compile_context>

<pallas_src>
import functools

import jax
import jax.numpy as jnp
from jax import lax
from jax.experimental import pallas as pl
from jax.experimental.pallas import tpu as pltpu
from jax.experimental.pallas import tpu_sc as plsc

NUM_FEATURES = 4096
BATCH = 16384

_info = plsc.get_sparse_core_info()
_NC, _NS, _L = _info.num_cores, _info.num_subcores, _info.num_lanes
_NW = _NC * _NS
_ROWS_PER_W = BATCH // _NW
_R = 8
_CHUNKS = _ROWS_PER_W // _R
_HALF = NUM_FEATURES // 2
_KH = _HALF // _L


def _permute_sc(x, perm32):
    mesh = plsc.VectorSubcoreMesh(core_axis_name="c", subcore_axis_name="s")

    @functools.partial(
        pl.kernel,
        mesh=mesh,
        out_type=jax.ShapeDtypeStruct((BATCH, NUM_FEATURES), jnp.float32),
        compiler_params=pltpu.CompilerParams(needs_layout_passes=False),
        scratch_types=[
            pltpu.VMEM((NUM_FEATURES,), jnp.int32),
            pltpu.VMEM((_R, NUM_FEATURES), jnp.float32),
            pltpu.VMEM((_R, NUM_FEATURES), jnp.float32),
            pltpu.VMEM((_R, _HALF), jnp.float32),
            pltpu.VMEM((_R, _HALF), jnp.float32),
            pltpu.SemaphoreType.DMA,
            pltpu.SemaphoreType.DMA,
            pltpu.SemaphoreType.DMA,
            pltpu.SemaphoreType.DMA,
        ],
    )
    def permute(x_hbm, perm_hbm, out_hbm, perm_v, in0, in1, outh0, outh1,
                isem0, isem1, osem0, osem1):
        wid = lax.axis_index("s") * _NC + lax.axis_index("c")
        pltpu.sync_copy(perm_hbm, perm_v)
        base0 = wid * _ROWS_PER_W
        ins, isems = (in0, in1), (isem0, isem1)
        outs, osems = (outh0, outh1), (osem0, osem1)
        rvecs = [jnp.full((_L,), r, jnp.int32) for r in range(_R)]

        def in_copy(c, b):
            return pltpu.make_async_copy(
                x_hbm.at[pl.ds(base0 + c * _R, _R)], ins[b], isems[b])

        def out_copy(c, h):
            return pltpu.make_async_copy(
                outs[h],
                out_hbm.at[pl.ds(base0 + c * _R, _R), pl.ds(h * _HALF, _HALF)],
                osems[h])

        in_copy(0, 0).start()
        in_copy(1, 1).start()

        @pl.loop(0, _CHUNKS, step=2)
        def chunk_loop(g):
            for b in range(2):
                c = g + b
                in_copy(c, b).wait()
                inb = ins[b]

                for h in range(2):
                    @pl.when(c >= 1)
                    def _():
                        out_copy(c - 1, h).wait()

                    outb = outs[h]

                    @plsc.parallel_loop(0, _KH, unroll=8)
                    def kbody(kk):
                        idx = perm_v[pl.ds((h * _KH + kk) * _L, _L)]
                        for r in range(_R):
                            val = plsc.load_gather(inb, [rvecs[r], idx])
                            outb[r, pl.ds(kk * _L, _L)] = val

                    out_copy(c, h).start()

                @pl.when(c + 2 < _CHUNKS)
                def _():
                    in_copy(c + 2, b).start()

        out_copy(_CHUNKS - 1, 0).wait()
        out_copy(_CHUNKS - 1, 1).wait()

    return permute(x, perm32)


def kernel(x, perm, inv_perm):
    del inv_perm
    return _permute_sc(x, perm.astype(jnp.int32))

# --- scband reference (transcript-rebuilt; emitter-appended) ---
"""Pipeline reference for scband-permutation-5720896438720 (READ-ONLY COPY).

The authoritative reference and input builder live on the scoring server;
editing this copy changes nothing except your own understanding.
"""

import jax, jax.numpy as jnp
import numpy as np

NUM_FEATURES = 4096
BATCH = 16384

def setup_inputs(seed: int = 0) -> dict:
    key = jax.random.key(seed)
    kx, kp = jax.random.split(key)
    x = jax.random.normal(kx, (BATCH, NUM_FEATURES), dtype=jnp.float32)
    # Buffer: random permutation of feature indices (fixed, like registered buffer)
    perm = jax.random.permutation(kp, NUM_FEATURES).astype(jnp.int64)
    # inverse permutation (buffer inv_perm in the torch module)
    inv_perm = jnp.argsort(perm).astype(jnp.int64)
    return {"x": x, "perm": perm, "inv_perm": inv_perm}

def reference(x, perm, inv_perm):
    # forward with inverse=False: x = x[:, perm]
    # pure gather along feature axis; log-det is zero (not returned by module)
    return jnp.take(x, perm, axis=1)

if __name__ == "__main__":
    import jax
    _d = setup_inputs()
    print(jax.jit(kernel)(*tuple(_d.values())))

</pallas_src>

<mosaic_0001>
#map = affine_map<(d0, d1) -> (0, 0)>
#map1 = affine_map<(d0, d1) -> (0)>
module attributes {stable_mosaic.version = 14 : i64} {
  func.func @permute(%arg0: i32, %arg1: i32, %arg2: memref<16384x4096xf32, #tpu.memory_space<hbm>>, %arg3: memref<4096xi32, #tpu.memory_space<hbm>>, %arg4: memref<16384x4096xf32, #tpu.memory_space<hbm>>, %arg5: memref<4096xi32, #tpu.memory_space<vmem>>, %arg6: memref<8x4096xf32, #tpu.memory_space<vmem>>, %arg7: memref<8x4096xf32, #tpu.memory_space<vmem>>, %arg8: memref<8x2048xf32, #tpu.memory_space<vmem>>, %arg9: memref<8x2048xf32, #tpu.memory_space<vmem>>, %arg10: memref<!tpu.dma_semaphore, #tpu.memory_space<semaphore_mem>>, %arg11: memref<!tpu.dma_semaphore, #tpu.memory_space<semaphore_mem>>, %arg12: memref<!tpu.dma_semaphore, #tpu.memory_space<semaphore_mem>>, %arg13: memref<!tpu.dma_semaphore, #tpu.memory_space<semaphore_mem>>) attributes {dimension_semantics = [#tpu.dimension_semantics<core_parallel>, #tpu.dimension_semantics<subcore_parallel>], iteration_bounds = array<i64: 2, 16>, scalar_prefetch = 0 : i64, scratch_operands = 9 : i64, tpu.core_type = #tpu.core_type<sc_vector_subcore>, window_params = [{transform_indices = #map}, {transform_indices = #map1}, {transform_indices = #map}]} {
    %mul3A = arith.constant 2 : i32
    %mul3A_0 = arith.muli %arg1, %mul3A : i32
    %add3A = arith.addi %mul3A_0, %arg0 : i32
    "tpu.region"() ({
      %run_scoped3A = tpu.sem_alloc : memref<!tpu.dma_semaphore, #tpu.memory_space<semaphore_mem>>
      tpu.enqueue_dma source(%arg3 : memref<4096xi32, #tpu.memory_space<hbm>>) target(%arg5 : memref<4096xi32, #tpu.memory_space<vmem>>) target_semaphore(%run_scoped3A : memref<!tpu.dma_semaphore, #tpu.memory_space<semaphore_mem>>)
      tpu.wait_dma2 semaphore(%run_scoped3A : memref<!tpu.dma_semaphore, #tpu.memory_space<semaphore_mem>>) src(%arg3 : memref<4096xi32, #tpu.memory_space<hbm>>) dst(%arg5 : memref<4096xi32, #tpu.memory_space<vmem>>)
      tpu.yield
    }) : () -> ()
    %mul3A_1 = arith.constant 512 : i32
    %mul3A_2 = arith.muli %add3A, %mul3A_1 : i32
    %broadcast_in_dim3A = arith.constant 0 : i32
    %broadcast_in_dim3A_3 = vector.broadcast %broadcast_in_dim3A : i32 to vector<16xi32>
    %broadcast_in_dim3A_4 = arith.constant 1 : i32
    %broadcast_in_dim3A_5 = vector.broadcast %broadcast_in_dim3A_4 : i32 to vector<16xi32>
    %broadcast_in_dim3A_6 = arith.constant 2 : i32
    %broadcast_in_dim3A_7 = vector.broadcast %broadcast_in_dim3A_6 : i32 to vector<16xi32>
    %broadcast_in_dim3A_8 = arith.constant 3 : i32
    %broadcast_in_dim3A_9 = vector.broadcast %broadcast_in_dim3A_8 : i32 to vector<16xi32>
    %broadcast_in_dim3A_10 = arith.constant 4 : i32
    %broadcast_in_dim3A_11 = vector.broadcast %broadcast_in_dim3A_10 : i32 to vector<16xi32>
    %broadcast_in_dim3A_12 = arith.constant 5 : i32
    %broadcast_in_dim3A_13 = vector.broadcast %broadcast_in_dim3A_12 : i32 to vector<16xi32>
    %broadcast_in_dim3A_14 = arith.constant 6 : i32
    %broadcast_in_dim3A_15 = vector.broadcast %broadcast_in_dim3A_14 : i32 to vector<16xi32>
    %broadcast_in_dim3A_16 = arith.constant 7 : i32
    %broadcast_in_dim3A_17 = vector.broadcast %broadcast_in_dim3A_16 : i32 to vector<16xi32>
    %add3A_18 = arith.constant 0 : i32
    %add3A_19 = arith.addi %mul3A_2, %add3A_18 : i32
    %dma_start3A = arith.constant 0 : i32
    %dma_start3A_20 = tpu.memref_slice %arg2[%add3A_19, %dma_start3A] : memref<16384x4096xf32, #tpu.memory_space<hbm>> -> memref<8x4096xf32, #tpu.memory_space<hbm>>
    %dma_start3A_21 = arith.constant 0 : i32
    %dma_start3A_22 = tpu.memref_slice %arg2[%add3A_19, %dma_start3A_21] : memref<16384x4096xf32, #tpu.memory_space<hbm>> -> memref<8x4096xf32, #tpu.memory_space<hbm>>
    tpu.enqueue_dma source(%dma_start3A_22 : memref<8x4096xf32, #tpu.memory_space<hbm>>) target(%arg6 : memref<8x4096xf32, #tpu.memory_space<vmem>>) target_semaphore(%arg10 : memref<!tpu.dma_semaphore, #tpu.memory_space<semaphore_mem>>)
    %add3A_23 = arith.constant 8 : i32
    %add3A_24 = arith.addi %mul3A_2, %add3A_23 : i32
    %dma_start3A_25 = arith.constant 0 : i32
    %dma_start3A_26 = tpu.memref_slice %arg2[%add3A_24, %dma_start3A_25] : memref<16384x4096xf32, #tpu.memory_space<hbm>> -> memref<8x4096xf32, #tpu.memory_space<hbm>>
    %dma_start3A_27 = arith.constant 0 : i32
    %dma_start3A_28 = tpu.memref_slice %arg2[%add3A_24, %dma_start3A_27] : memref<16384x4096xf32, #tpu.memory_space<hbm>> -> memref<8x4096xf32, #tpu.memory_space<hbm>>
    tpu.enqueue_dma source(%dma_start3A_28 : memref<8x4096xf32, #tpu.memory_space<hbm>>) target(%arg7 : memref<8x4096xf32, #tpu.memory_space<vmem>>) target_semaphore(%arg11 : memref<!tpu.dma_semaphore, #tpu.memory_space<semaphore_mem>>)
    %scan3A = arith.constant 0 : i32
    %scan3A_29 = arith.constant 32 : i32
    %scan3A_30 = arith.addi %scan3A, %scan3A_29 : i32
    %scan3A_31 = arith.constant 1 : i32
    scf.for %scan3A_44 = %scan3A to %scan3A_30 step %scan3A_31  : i32 {
      %mul3A_45 = arith.constant 2 : i32
      %mul3A_46 = arith.muli %scan3A_44, %mul3A_45 : i32
      %add3A_47 = arith.constant 0 : i32
      %add3A_48 = arith.addi %add3A_47, %mul3A_46 : i32
      %add3A_49 = arith.constant 0 : i32
      %add3A_50 = arith.addi %add3A_48, %add3A_49 : i32
      %mul3A_51 = arith.constant 8 : i32
      %mul3A_52 = arith.muli %add3A_50, %mul3A_51 : i32
      %add3A_53 = arith.addi %mul3A_2, %mul3A_52 : i32
      %dma_wait3A_54 = arith.constant 0 : i32
      %dma_wait3A_55 = tpu.memref_slice %arg2[%add3A_53, %dma_wait3A_54] : memref<16384x4096xf32, #tpu.memory_space<hbm>> -> memref<8x4096xf32, #tpu.memory_space<hbm>>
      %dma_wait3A_56 = arith.constant 0 : i32
      %dma_wait3A_57 = tpu.memref_slice %arg2[%add3A_53, %dma_wait3A_56] : memref<16384x4096xf32, #tpu.memory_space<hbm>> -> memref<8x4096xf32, #tpu.memory_space<hbm>>
      tpu.wait_dma2 semaphore(%arg10 : memref<!tpu.dma_semaphore, #tpu.memory_space<semaphore_mem>>) src(%dma_wait3A_57 : memref<8x4096xf32, #tpu.memory_space<hbm>>) dst(%arg6 : memref<8x4096xf32, #tpu.memory_space<vmem>>)
      %ge3A = arith.constant 1 : i32
      %ge3A_58 = arith.cmpi sge, %add3A_50, %ge3A : i32
      %convert_element_type3A = arith.extui %ge3A_58 : i1 to i32
      %cond3A = arith.constant 0 : i32
      %cond3A_59 = arith.cmpi ne, %convert_element_type3A, %cond3A : i32
      scf.if %cond3A_59 {
        %sub3A = arith.constant 1 : i32
        %sub3A_136 = arith.subi %add3A_50, %sub3A : i32
        %mul3A_137 = arith.constant 8 : i32
        %mul3A_138 = arith.muli %sub3A_136, %mul3A_137 : i32
        %add3A_139 = arith.addi %mul3A_2, %mul3A_138 : i32
        %dma_wait3A_140 = arith.constant 0 : i32
        %dma_wait3A_141 = tpu.memref_slice %arg4[%add3A_139, %dma_wait3A_140] : memref<16384x4096xf32, #tpu.memory_space<hbm>> -> memref<8x2048xf32, #tpu.memory_space<hbm>>
        %dma_wait3A_142 = arith.constant 0 : i32
        %dma_wait3A_143 = tpu.memref_slice %arg4[%add3A_139, %dma_wait3A_142] : memref<16384x4096xf32, #tpu.memory_space<hbm>> -> memref<8x2048xf32, #tpu.memory_space<hbm>>
        tpu.wait_dma2 semaphore(%arg12 : memref<!tpu.dma_semaphore, #tpu.memory_space<semaphore_mem>>) src(%arg8 : memref<8x2048xf32, #tpu.memory_space<vmem>>) dst(%dma_wait3A_143 : memref<8x2048xf32, #tpu.memory_space<hbm>>)
      } else {
      }
      %parallel_loop3A = arith.constant 0 : i32
      %parallel_loop3A_60 = arith.constant 128 : i32
      %parallel_loop3A_61 = arith.constant 1 : i32
      scf.for %parallel_loop3A_136 = %parallel_loop3A to %parallel_loop3A_60 step %parallel_loop3A_61  : i32 {
        %parallel_loop3A_137 = arith.constant 0 : i32
        %parallel_loop3A_138 = arith.addi %parallel_loop3A_137, %parallel_loop3A_136 : i32
        %parallel_loop3A_139 = arith.constant 16 : i32
        %parallel_loop3A_140 = arith.muli %parallel_loop3A_138, %parallel_loop3A_139 : i32
        %parallel_loop3A_141 = arith.index_cast %parallel_loop3A_140 : i32 to index
        %parallel_loop3A_142 = tpu.vector_load %arg5[%parallel_loop3A_141] {strides = array<i32>} : memref<4096xi32, #tpu.memory_space<vmem>>, vector<16xi32>,
        %parallel_loop3A_143 = tpu.vector_load_idx %arg6[%broadcast_in_dim3A_3, %parallel_loop3A_142] : memref<8x4096xf32, #tpu.memory_space<vmem>>[vector<16xi32>, vector<16xi32>], vector<16xf32>,
        %parallel_loop3A_144 = arith.constant 16 : i32
        %parallel_loop3A_145 = arith.muli %parallel_loop3A_136, %parallel_loop3A_144 : i32
        %parallel_loop3A_146 = arith.constant 0 : i32
        %parallel_loop3A_147 = arith.index_cast %parallel_loop3A_146 : i32 to index
        %parallel_loop3A_148 = arith.index_cast %parallel_loop3A_145 : i32 to index
        %parallel_loop3A_149 = tpu.vector_load %arg8[%parallel_loop3A_147, %parallel_loop3A_148] {strides = array<i32>} : memref<8x2048xf32, #tpu.memory_space<vmem>>, vector<16xf32>,
        tpu.vector_store %arg8[%parallel_loop3A_147, %parallel_loop3A_148], %parallel_loop3A_143 {strides = array<i32>} : memref<8x2048xf32, #tpu.memory_space<vmem>>, vector<16xf32>,
        %parallel_loop3A_150 = tpu.vector_load_idx %arg6[%broadcast_in_dim3A_5, %parallel_loop3A_142] : memref<8x4096xf32, #tpu.memory_space<vmem>>[vector<16xi32>, vector<16xi32>], vector<16xf32>,
        %parallel_loop3A_151 = arith.constant 16 : i32
        %parallel_loop3A_152 = arith.muli %parallel_loop3A_136, %parallel_loop3A_151 : i32
        %parallel_loop3A_153 = arith.constant 1 : i32
        %parallel_loop3A_154 = arith.index_cast %parallel_loop3A_153 : i32 to index
        %parallel_loop3A_155 = arith.index_cast %parallel_loop3A_152 : i32 to index
        %parallel_loop3A_156 = tpu.vector_load %arg8[%parallel_loop3A_154, %parallel_loop3A_155] {strides = array<i32>} : memref<8x2048xf32, #tpu.memory_space<vmem>>, vector<16xf32>,
        tpu.vector_store %arg8[%parallel_loop3A_154, %parallel_loop3A_155], %parallel_loop3A_150 {strides = array<i32>} : memref<8x2048xf32, #tpu.memory_space<vmem>>, vector<16xf32>,
        %parallel_loop3A_157 = tpu.vector_load_idx %arg6[%broadcast_in_dim3A_7, %parallel_loop3A_142] : memref<8x4096xf32, #tpu.memory_space<vmem>>[vector<16xi32>, vector<16xi32>], vector<16xf32>,
        %parallel_loop3A_158 = arith.constant 16 : i32
        %parallel_loop3A_159 = arith.muli %parallel_loop3A_136, %parallel_loop3A_158 : i32
        %parallel_loop3A_160 = arith.constant 2 : i32
        %parallel_loop3A_161 = arith.index_cast %parallel_loop3A_160 : i32 to index
        %parallel_loop3A_162 = arith.index_cast %parallel_loop3A_159 : i32 to index
        %parallel_loop3A_163 = tpu.vector_load %arg8[%parallel_loop3A_161, %parallel_loop3A_162] {strides = array<i32>} : memref<8x2048xf32, #tpu.memory_space<vmem>>, vector<16xf32>,
        tpu.vector_store %arg8[%parallel_loop3A_161, %parallel_loop3A_162], %parallel_loop3A_157 {strides = array<i32>} : memref<8x2048xf32, #tpu.memory_space<vmem>>, vector<16xf32>,
        %parallel_loop3A_164 = tpu.vector_load_idx %arg6[%broadcast_in_dim3A_9, %parallel_loop3A_142] : memref<8x4096xf32, #tpu.memory_space<vmem>>[vector<16xi32>, vector<16xi32>], vector<16xf32>,
        %parallel_loop3A_165 = arith.constant 16 : i32
        %parallel_loop3A_166 = arith.muli %parallel_loop3A_136, %parallel_loop3A_165 : i32
        %parallel_loop3A_167 = arith.constant 3 : i32
        %parallel_loop3A_168 = arith.index_cast %parallel_loop3A_167 : i32 to index
        %parallel_loop3A_169 = arith.index_cast %parallel_loop3A_166 : i32 to index
        %parallel_loop3A_170 = tpu.vector_load %arg8[%parallel_loop3A_168, %parallel_loop3A_169] {strides = array<i32>} : memref<8x2048xf32, #tpu.memory_space<vmem>>, vector<16xf32>,
        tpu.vector_store %arg8[%parallel_loop3A_168, %parallel_loop3A_169], %parallel_loop3A_164 {strides = array<i32>} : memref<8x2048xf32, #tpu.memory_space<vmem>>, vector<16xf32>,
        %parallel_loop3A_171 = tpu.vector_load_idx %arg6[%broadcast_in_dim3A_11, %parallel_loop3A_142] : memref<8x4096xf32, #tpu.memory_space<vmem>>[vector<16xi32>, vector<16xi32>], vector<16xf32>,
        %parallel_loop3A_172 = arith.constant 16 : i32
        %parallel_loop3A_173 = arith.muli %parallel_loop3A_136, %parallel_loop3A_172 : i32
        %parallel_loop3A_174 = arith.constant 4 : i32
        %parallel_loop3A_175 = arith.index_cast %parallel_loop3A_174 : i32 to index
        %parallel_loop3A_176 = arith.index_cast %parallel_loop3A_173 : i32 to index
        %parallel_loop3A_177 = tpu.vector_load %arg8[%parallel_loop3A_175, %parallel_loop3A_176] {strides = array<i32>} : memref<8x2048xf32, #tpu.memory_space<vmem>>, vector<16xf32>,
        tpu.vector_store %arg8[%parallel_loop3A_175, %parallel_loop3A_176], %parallel_loop3A_171 {strides = array<i32>} : memref<8x2048xf32, #tpu.memory_space<vmem>>, vector<16xf32>,
        %parallel_loop3A_178 = tpu.vector_load_idx %arg6[%broadcast_in_dim3A_13, %parallel_loop3A_142] : memref<8x4096xf32, #tpu.memory_space<vmem>>[vector<16xi32>, vector<16xi32>], vector<16xf32>,
        %parallel_loop3A_179 = arith.constant 16 : i32
        %parallel_loop3A_180 = arith.muli %parallel_loop3A_136, %parallel_loop3A_179 : i32
        %parallel_loop3A_181 = arith.constant 5 : i32
        %parallel_loop3A_182 = arith.index_cast %parallel_loop3A_181 : i32 to index
        %parallel_loop3A_183 = arith.index_cast %parallel_loop3A_180 : i32 to index
        %parallel_loop3A_184 = tpu.vector_load %arg8[%parallel_loop3A_182, %parallel_loop3A_183] {strides = array<i32>} : memref<8x2048xf32, #tpu.memory_space<vmem>>, vector<16xf32>,
        tpu.vector_store %arg8[%parallel_loop3A_182, %parallel_loop3A_183], %parallel_loop3A_178 {strides = array<i32>} : memref<8x2048xf32, #tpu.memory_space<vmem>>, vector<16xf32>,
        %parallel_loop3A_185 = tpu.vector_load_idx %arg6[%broadcast_in_dim3A_15, %parallel_loop3A_142] : memref<8x4096xf32, #tpu.memory_space<vmem>>[vector<16xi32>, vector<16xi32>], vector<16xf32>,
        %parallel_loop3A_186 = arith.constant 16 : i32
        %parallel_loop3A_187 = arith.muli %parallel_loop3A_136, %parallel_loop3A_186 : i32
        %parallel_loop3A_188 = arith.constant 6 : i32
        %parallel_loop3A_189 = arith.index_cast %parallel_loop3A_188 : i32 to index
        %parallel_loop3A_190 = arith.index_cast %parallel_loop3A_187 : i32 to index
        %parallel_loop3A_191 = tpu.vector_load %arg8[%parallel_loop3A_189, %parallel_loop3A_190] {strides = array<i32>} : memref<8x2048xf32, #tpu.memory_space<vmem>>, vector<16xf32>,
        tpu.vector_store %arg8[%parallel_loop3A_189, %parallel_loop3A_190], %parallel_loop3A_185 {strides = array<i32>} : memref<8x2048xf32, #tpu.memory_space<vmem>>, vector<16xf32>,
        %parallel_loop3A_192 = tpu.vector_load_idx %arg6[%broadcast_in_dim3A_17, %parallel_loop3A_142] : memref<8x4096xf32, #tpu.memory_space<vmem>>[vector<16xi32>, vector<16xi32>], vector<16xf32>,
        %parallel_loop3A_193 = arith.constant 16 : i32
        %parallel_loop3A_194 = arith.muli %parallel_loop3A_136, %parallel_loop3A_193 : i32
        %parallel_loop3A_195 = arith.constant 7 : i32
        %parallel_loop3A_196 = arith.index_cast %parallel_loop3A_195 : i32 to index
        %parallel_loop3A_197 = arith.index_cast %parallel_loop3A_194 : i32 to index
        %parallel_loop3A_198 = tpu.vector_load %arg8[%parallel_loop3A_196, %parallel_loop3A_197] {strides = array<i32>} : memref<8x2048xf32, #tpu.memory_space<vmem>>, vector<16xf32>,
        tpu.vector_store %arg8[%parallel_loop3A_196, %parallel_loop3A_197], %parallel_loop3A_192 {strides = array<i32>} : memref<8x2048xf32, #tpu.memory_space<vmem>>, vector<16xf32>,
      } {sc.loop_unroll_factor = 8 : i64, sc.parallel_access}
      %mul3A_62 = arith.constant 8 : i32
      %mul3A_63 = arith.muli %add3A_50, %mul3A_62 : i32
      %add3A_64 = arith.addi %mul3A_2, %mul3A_63 : i32
      %dma_start3A_65 = arith.constant 0 : i32
      %dma_start3A_66 = tpu.memref_slice %arg4[%add3A_64, %dma_start3A_65] : memref<16384x4096xf32, #tpu.memory_space<hbm>> -> memref<8x2048xf32, #tpu.memory_space<hbm>>
      %dma_start3A_67 = arith.constant 0 : i32
      %dma_start3A_68 = tpu.memref_slice %arg4[%add3A_64, %dma_start3A_67] : memref<16384x4096xf32, #tpu.memory_space<hbm>> -> memref<8x2048xf32, #tpu.memory_space<hbm>>
      tpu.enqueue_dma source(%arg8 : memref<8x2048xf32, #tpu.memory_space<vmem>>) target(%dma_start3A_68 : memref<8x2048xf32, #tpu.memory_space<hbm>>) target_semaphore(%arg12 : memref<!tpu.dma_semaphore, #tpu.memory_space<semaphore_mem>>)
      %ge3A_69 = arith.constant 1 : i32
      %ge3A_70 = arith.cmpi sge, %add3A_50, %ge3A_69 : i32
      %convert_element_type3A_71 = arith.extui %ge3A_70 : i1 to i32
      %cond3A_72 = arith.constant 0 : i32
      %cond3A_73 = arith.cmpi ne, %convert_element_type3A_71, %cond3A_72 : i32
      scf.if %cond3A_73 {
        %sub3A = arith.constant 1 : i32
        %sub3A_136 = arith.subi %add3A_50, %sub3A : i32
        %mul3A_137 = arith.constant 8 : i32
        %mul3A_138 = arith.muli %sub3A_136, %mul3A_137 : i32
        %add3A_139 = arith.addi %mul3A_2, %mul3A_138 : i32
        %dma_wait3A_140 = arith.constant 2048 : i32
        %dma_wait3A_141 = tpu.memref_slice %arg4[%add3A_139, %dma_wait3A_140] : memref<16384x4096xf32, #tpu.memory_space<hbm>> -> memref<8x2048xf32, #tpu.memory_space<hbm>>
        %dma_wait3A_142 = arith.constant 2048 : i32
        %dma_wait3A_143 = tpu.memref_slice %arg4[%add3A_139, %dma_wait3A_142] : memref<16384x4096xf32, #tpu.memory_space<hbm>> -> memref<8x2048xf32, #tpu.memory_space<hbm>>
        tpu.wait_dma2 semaphore(%arg13 : memref<!tpu.dma_semaphore, #tpu.memory_space<semaphore_mem>>) src(%arg9 : memref<8x2048xf32, #tpu.memory_space<vmem>>) dst(%dma_wait3A_143 : memref<8x2048xf32, #tpu.memory_space<hbm>>)
      } else {
      }
      %parallel_loop3A_74 = arith.constant 0 : i32
      %parallel_loop3A_75 = arith.constant 128 : i32
      %parallel_loop3A_76 = arith.constant 1 : i32
      scf.for %parallel_loop3A_136 = %parallel_loop3A_74 to %parallel_loop3A_75 step %parallel_loop3A_76  : i32 {
        %parallel_loop3A_137 = arith.constant 128 : i32
        %parallel_loop3A_138 = arith.addi %parallel_loop3A_137, %parallel_loop3A_136 : i32
        %parallel_loop3A_139 = arith.constant 16 : i32
        %parallel_loop3A_140 = arith.muli %parallel_loop3A_138, %parallel_loop3A_139 : i32
        %parallel_loop3A_141 = arith.index_cast %parallel_loop3A_140 : i32 to index
        %parallel_loop3A_142 = tpu.vector_load %arg5[%parallel_loop3A_141] {strides = array<i32>} : memref<4096xi32, #tpu.memory_space<vmem>>, vector<16xi32>,
        %parallel_loop3A_143 = tpu.vector_load_idx %arg6[%broadcast_in_dim3A_3, %parallel_loop3A_142] : memref<8x4096xf32, #tpu.memory_space<vmem>>[vector<16xi32>, vector<16xi32>], vector<16xf32>,
        %parallel_loop3A_144 = arith.constant 16 : i32
        %parallel_loop3A_145 = arith.muli %parallel_loop3A_136, %parallel_loop3A_144 : i32
        %parallel_loop3A_146 = arith.constant 0 : i32
        %parallel_loop3A_147 = arith.index_cast %parallel_loop3A_146 : i32 to index
        %parallel_loop3A_148 = arith.index_cast %parallel_loop3A_145 : i32 to index
        %parallel_loop3A_149 = tpu.vector_load %arg9[%parallel_loop3A_147, %parallel_loop3A_148] {strides = array<i32>} : memref<8x2048xf32, #tpu.memory_space<vmem>>, vector<16xf32>,
        tpu.vector_store %arg9[%parallel_loop3A_147, %parallel_loop3A_148], %parallel_loop3A_143 {strides = array<i32>} : memref<8x2048xf32, #tpu.memory_space<vmem>>, vector<16xf32>,
        %parallel_loop3A_150 = tpu.vector_load_idx %arg6[%broadcast_in_dim3A_5, %parallel_loop3A_142] : memref<8x4096xf32, #tpu.memory_space<vmem>>[vector<16xi32>, vector<16xi32>], vector<16xf32>,
        %parallel_loop3A_151 = arith.constant 16 : i32
        %parallel_loop3A_152 = arith.muli %parallel_loop3A_136, %parallel_loop3A_151 : i32
        %parallel_loop3A_153 = arith.constant 1 : i32
        %parallel_loop3A_154 = arith.index_cast %parallel_loop3A_153 : i32 to index
        %parallel_loop3A_155 = arith.index_cast %parallel_loop3A_152 : i32 to index
        %parallel_loop3A_156 = tpu.vector_load %arg9[%parallel_loop3A_154, %parallel_loop3A_155] {strides = array<i32>} : memref<8x2048xf32, #tpu.memory_space<vmem>>, vector<16xf32>,
        tpu.vector_store %arg9[%parallel_loop3A_154, %parallel_loop3A_155], %parallel_loop3A_150 {strides = array<i32>} : memref<8x2048xf32, #tpu.memory_space<vmem>>, vector<16xf32>,
        %parallel_loop3A_157 = tpu.vector_load_idx %arg6[%broadcast_in_dim3A_7, %parallel_loop3A_142] : memref<8x4096xf32, #tpu.memory_space<vmem>>[vector<16xi32>, vector<16xi32>], vector<16xf32>,
        %parallel_loop3A_158 = arith.constant 16 : i32
        %parallel_loop3A_159 = arith.muli %parallel_loop3A_136, %parallel_loop3A_158 : i32
        %parallel_loop3A_160 = arith.constant 2 : i32
        %parallel_loop3A_161 = arith.index_cast %parallel_loop3A_160 : i32 to index
        %parallel_loop3A_162 = arith.index_cast %parallel_loop3A_159 : i32 to index
        %parallel_loop3A_163 = tpu.vector_load %arg9[%parallel_loop3A_161, %parallel_loop3A_162] {strides = array<i32>} : memref<8x2048xf32, #tpu.memory_space<vmem>>, vector<16xf32>,
        tpu.vector_store %arg9[%parallel_loop3A_161, %parallel_loop3A_162], %parallel_loop3A_157 {strides = array<i32>} : memref<8x2048xf32, #tpu.memory_space<vmem>>, vector<16xf32>,
        %parallel_loop3A_164 = tpu.vector_load_idx %arg6[%broadcast_in_dim3A_9, %parallel_loop3A_142] : memref<8x4096xf32, #tpu.memory_space<vmem>>[vector<16xi32>, vector<16xi32>], vector<16xf32>,
        %parallel_loop3A_165 = arith.constant 16 : i32
        %parallel_loop3A_166 = arith.muli %parallel_loop3A_136, %parallel_loop3A_165 : i32
        %parallel_loop3A_167 = arith.constant 3 : i32
        %parallel_loop3A_168 = arith.index_cast %parallel_loop3A_167 : i32 to index
        %parallel_loop3A_169 = arith.index_cast %parallel_loop3A_166 : i32 to index
        %parallel_loop3A_170 = tpu.vector_load %arg9[%parallel_loop3A_168, %parallel_loop3A_169] {strides = array<i32>} : memref<8x2048xf32, #tpu.memory_space<vmem>>, vector<16xf32>,
        tpu.vector_store %arg9[%parallel_loop3A_168, %parallel_loop3A_169], %parallel_loop3A_164 {strides = array<i32>} : memref<8x2048xf32, #tpu.memory_space<vmem>>, vector<16xf32>,
        %parallel_loop3A_171 = tpu.vector_load_idx %arg6[%broadcast_in_dim3A_11, %parallel_loop3A_142] : memref<8x4096xf32, #tpu.memory_space<vmem>>[vector<16xi32>, vector<16xi32>], vector<16xf32>,
        %parallel_loop3A_172 = arith.constant 16 : i32
        %parallel_loop3A_173 = arith.muli %parallel_loop3A_136, %parallel_loop3A_172 : i32
        %parallel_loop3A_174 = arith.constant 4 : i32
        %parallel_loop3A_175 = arith.index_cast %parallel_loop3A_174 : i32 to index
        %parallel_loop3A_176 = arith.index_cast %parallel_loop3A_173 : i32 to index
        %parallel_loop3A_177 = tpu.vector_load %arg9[%parallel_loop3A_175, %parallel_loop3A_176] {strides = array<i32>} : memref<8x2048xf32, #tpu.memory_space<vmem>>, vector<16xf32>,
        tpu.vector_store %arg9[%parallel_loop3A_175, %parallel_loop3A_176], %parallel_loop3A_171 {strides = array<i32>} : memref<8x2048xf32, #tpu.memory_space<vmem>>, vector<16xf32>,
        %parallel_loop3A_178 = tpu.vector_load_idx %arg6[%broadcast_in_dim3A_13, %parallel_loop3A_142] : memref<8x4096xf32, #tpu.memory_space<vmem>>[vector<16xi32>, vector<16xi32>], vector<16xf32>,
        %parallel_loop3A_179 = arith.constant 16 : i32
        %parallel_loop3A_180 = arith.muli %parallel_loop3A_136, %parallel_loop3A_179 : i32
        %parallel_loop3A_181 = arith.constant 5 : i32
        %parallel_loop3A_182 = arith.index_cast %parallel_loop3A_181 : i32 to index
        %parallel_loop3A_183 = arith.index_cast %parallel_loop3A_180 : i32 to index
        %parallel_loop3A_184 = tpu.vector_load %arg9[%parallel_loop3A_182, %parallel_loop3A_183] {strides = array<i32>} : memref<8x2048xf32, #tpu.memory_space<vmem>>, vector<16xf32>,
        tpu.vector_store %arg9[%parallel_loop3A_182, %parallel_loop3A_183], %parallel_loop3A_178 {strides = array<i32>} : memref<8x2048xf32, #tpu.memory_space<vmem>>, vector<16xf32>,
        %parallel_loop3A_185 = tpu.vector_load_idx %arg6[%broadcast_in_dim3A_15, %parallel_loop3A_142] : memref<8x4096xf32, #tpu.memory_space<vmem>>[vector<16xi32>, vector<16xi32>], vector<16xf32>,
        %parallel_loop3A_186 = arith.constant 16 : i32
        %parallel_loop3A_187 = arith.muli %parallel_loop3A_136, %parallel_loop3A_186 : i32
        %parallel_loop3A_188 = arith.constant 6 : i32
        %parallel_loop3A_189 = arith.index_cast %parallel_loop3A_188 : i32 to index
        %parallel_loop3A_190 = arith.index_cast %parallel_loop3A_187 : i32 to index
        %parallel_loop3A_191 = tpu.vector_load %arg9[%parallel_loop3A_189, %parallel_loop3A_190] {strides = array<i32>} : memref<8x2048xf32, #tpu.memory_space<vmem>>, vector<16xf32>,
        tpu.vector_store %arg9[%parallel_loop3A_189, %parallel_loop3A_190], %parallel_loop3A_185 {strides = array<i32>} : memref<8x2048xf32, #tpu.memory_space<vmem>>, vector<16xf32>,
        %parallel_loop3A_192 = tpu.vector_load_idx %arg6[%broadcast_in_dim3A_17, %parallel_loop3A_142] : memref<8x4096xf32, #tpu.memory_space<vmem>>[vector<16xi32>, vector<16xi32>], vector<16xf32>,
        %parallel_loop3A_193 = arith.constant 16 : i32
        %parallel_loop3A_194 = arith.muli %parallel_loop3A_136, %parallel_loop3A_193 : i32
        %parallel_loop3A_195 = arith.constant 7 : i32
        %parallel_loop3A_196 = arith.index_cast %parallel_loop3A_195 : i32 to index
        %parallel_loop3A_197 = arith.index_cast %parallel_loop3A_194 : i32 to index
        %parallel_loop3A_198 = tpu.vector_load %arg9[%parallel_loop3A_196, %parallel_loop3A_197] {strides = array<i32>} : memref<8x2048xf32, #tpu.memory_space<vmem>>, vector<16xf32>,
        tpu.vector_store %arg9[%parallel_loop3A_196, %parallel_loop3A_197], %parallel_loop3A_192 {strides = array<i32>} : memref<8x2048xf32, #tpu.memory_space<vmem>>, vector<16xf32>,
      } {sc.loop_unroll_factor = 8 : i64, sc.parallel_access}
      %mul3A_77 = arith.constant 8 : i32
      %mul3A_78 = arith.muli %add3A_50, %mul3A_77 : i32
      %add3A_79 = arith.addi %mul3A_2, %mul3A_78 : i32
      %dma_start3A_80 = arith.constant 2048 : i32
      %dma_start3A_81 = tpu.memref_slice %arg4[%add3A_79, %dma_start3A_80] : memref<16384x4096xf32, #tpu.memory_space<hbm>> -> memref<8x2048xf32, #tpu.memory_space<hbm>>
      %dma_start3A_82 = arith.constant 2048 : i32
      %dma_start3A_83 = tpu.memref_slice %arg4[%add3A_79, %dma_start3A_82] : memref<16384x4096xf32, #tpu.memory_space<hbm>> -> memref<8x2048xf32, #tpu.memory_space<hbm>>
      tpu.enqueue_dma source(%arg9 : memref<8x2048xf32, #tpu.memory_space<vmem>>) target(%dma_start3A_83 : memref<8x2048xf32, #tpu.memory_space<hbm>>) target_semaphore(%arg13 : memref<!tpu.dma_semaphore, #tpu.memory_space<semaphore_mem>>)
      %add3A_84 = arith.constant 2 : i32
      %add3A_85 = arith.addi %add3A_50, %add3A_84 : i32
      %lt3A = arith.constant 64 : i32
      %lt3A_86 = arith.cmpi slt, %add3A_85, %lt3A : i32
      %convert_element_type3A_87 = arith.extui %lt3A_86 : i1 to i32
      %cond3A_88 = arith.constant 0 : i32
      %cond3A_89 = arith.cmpi ne, %convert_element_type3A_87, %cond3A_88 : i32
      scf.if %cond3A_89 {
        %add3A_136 = arith.constant 2 : i32
        %add3A_137 = arith.addi %add3A_50, %add3A_136 : i32
        %mul3A_138 = arith.constant 8 : i32
        %mul3A_139 = arith.muli %add3A_137, %mul3A_138 : i32
        %add3A_140 = arith.addi %mul3A_2, %mul3A_139 : i32
        %dma_start3A_141 = arith.constant 0 : i32
        %dma_start3A_142 = tpu.memref_slice %arg2[%add3A_140, %dma_start3A_141] : memref<16384x4096xf32, #tpu.memory_space<hbm>> -> memref<8x4096xf32, #tpu.memory_space<hbm>>
        %dma_start3A_143 = arith.constant 0 : i32
        %dma_start3A_144 = tpu.memref_slice %arg2[%add3A_140, %dma_start3A_143] : memref<16384x4096xf32, #tpu.memory_space<hbm>> -> memref<8x4096xf32, #tpu.memory_space<hbm>>
        tpu.enqueue_dma source(%dma_start3A_144 : memref<8x4096xf32, #tpu.memory_space<hbm>>) target(%arg6 : memref<8x4096xf32, #tpu.memory_space<vmem>>) target_semaphore(%arg10 : memref<!tpu.dma_semaphore, #tpu.memory_space<semaphore_mem>>)
      } else {
      }
      %add3A_90 = arith.constant 1 : i32
      %add3A_91 = arith.addi %add3A_48, %add3A_90 : i32
      %mul3A_92 = arith.constant 8 : i32
      %mul3A_93 = arith.muli %add3A_91, %mul3A_92 : i32
      %add3A_94 = arith.addi %mul3A_2, %mul3A_93 : i32
      %dma_wait3A_95 = arith.constant 0 : i32
      %dma_wait3A_96 = tpu.memref_slice %arg2[%add3A_94, %dma_wait3A_95] : memref<16384x4096xf32, #tpu.memory_space<hbm>> -> memref<8x4096xf32, #tpu.memory_space<hbm>>
      %dma_wait3A_97 = arith.constant 0 : i32
      %dma_wait3A_98 = tpu.memref_slice %arg2[%add3A_94, %dma_wait3A_97] : memref<16384x4096xf32, #tpu.memory_space<hbm>> -> memref<8x4096xf32, #tpu.memory_space<hbm>>
      tpu.wait_dma2 semaphore(%arg11 : memref<!tpu.dma_semaphore, #tpu.memory_space<semaphore_mem>>) src(%dma_wait3A_98 : memref<8x4096xf32, #tpu.memory_space<hbm>>) dst(%arg7 : memref<8x4096xf32, #tpu.memory_space<vmem>>)
      %ge3A_99 = arith.constant 1 : i32
      %ge3A_100 = arith.cmpi sge, %add3A_91, %ge3A_99 : i32
      %convert_element_type3A_101 = arith.extui %ge3A_100 : i1 to i32
      %cond3A_102 = arith.constant 0 : i32
      %cond3A_103 = arith.cmpi ne, %convert_element_type3A_101, %cond3A_102 : i32
      scf.if %cond3A_103 {
        %sub3A = arith.constant 1 : i32
        %sub3A_136 = arith.subi %add3A_91, %sub3A : i32
        %mul3A_137 = arith.constant 8 : i32
        %mul3A_138 = arith.muli %sub3A_136, %mul3A_137 : i32
        %add3A_139 = arith.addi %mul3A_2, %mul3A_138 : i32
        %dma_wait3A_140 = arith.constant 0 : i32
        %dma_wait3A_141 = tpu.memref_slice %arg4[%add3A_139, %dma_wait3A_140] : memref<16384x4096xf32, #tpu.memory_space<hbm>> -> memref<8x2048xf32, #tpu.memory_space<hbm>>
        %dma_wait3A_142 = arith.constant 0 : i32
        %dma_wait3A_143 = tpu.memref_slice %arg4[%add3A_139, %dma_wait3A_142] : memref<16384x4096xf32, #tpu.memory_space<hbm>> -> memref<8x2048xf32, #tpu.memory_space<hbm>>
        tpu.wait_dma2 semaphore(%arg12 : memref<!tpu.dma_semaphore, #tpu.memory_space<semaphore_mem>>) src(%arg8 : memref<8x2048xf32, #tpu.memory_space<vmem>>) dst(%dma_wait3A_143 : memref<8x2048xf32, #tpu.memory_space<hbm>>)
      } else {
      }
      %parallel_loop3A_104 = arith.constant 0 : i32
      %parallel_loop3A_105 = arith.constant 128 : i32
      %parallel_loop3A_106 = arith.constant 1 : i32
      scf.for %parallel_loop3A_136 = %parallel_loop3A_104 to %parallel_loop3A_105 step %parallel_loop3A_106  : i32 {
        %parallel_loop3A_137 = arith.constant 0 : i32
        %parallel_loop3A_138 = arith.addi %parallel_loop3A_137, %parallel_loop3A_136 : i32
        %parallel_loop3A_139 = arith.constant 16 : i32
        %parallel_loop3A_140 = arith.muli %parallel_loop3A_138, %parallel_loop3A_139 : i32
        %parallel_loop3A_141 = arith.index_cast %parallel_loop3A_140 : i32 to index
        %parallel_loop3A_142 = tpu.vector_load %arg5[%parallel_loop3A_141] {strides = array<i32>} : memref<4096xi32, #tpu.memory_space<vmem>>, vector<16xi32>,
        %parallel_loop3A_143 = tpu.vector_load_idx %arg7[%broadcast_in_dim3A_3, %parallel_loop3A_142] : memref<8x4096xf32, #tpu.memory_space<vmem>>[vector<16xi32>, vector<16xi32>], vector<16xf32>,
        %parallel_loop3A_144 = arith.constant 16 : i32
        %parallel_loop3A_145 = arith.muli %parallel_loop3A_136, %parallel_loop3A_144 : i32
        %parallel_loop3A_146 = arith.constant 0 : i32
        %parallel_loop3A_147 = arith.index_cast %parallel_loop3A_146 : i32 to index
        %parallel_loop3A_148 = arith.index_cast %parallel_loop3A_145 : i32 to index
        %parallel_loop3A_149 = tpu.vector_load %arg8[%parallel_loop3A_147, %parallel_loop3A_148] {strides = array<i32>} : memref<8x2048xf32, #tpu.memory_space<vmem>>, vector<16xf32>,
        tpu.vector_store %arg8[%parallel_loop3A_147, %parallel_loop3A_148], %parallel_loop3A_143 {strides = array<i32>} : memref<8x2048xf32, #tpu.memory_space<vmem>>, vector<16xf32>,
        %parallel_loop3A_150 = tpu.vector_load_idx %arg7[%broadcast_in_dim3A_5, %parallel_loop3A_142] : memref<8x4096xf32, #tpu.memory_space<vmem>>[vector<16xi32>, vector<16xi32>], vector<16xf32>,
        %parallel_loop3A_151 = arith.constant 16 : i32
        %parallel_loop3A_152 = arith.muli %parallel_loop3A_136, %parallel_loop3A_151 : i32
        %parallel_loop3A_153 = arith.constant 1 : i32
        %parallel_loop3A_154 = arith.index_cast %parallel_loop3A_153 : i32 to index
        %parallel_loop3A_155 = arith.index_cast %parallel_loop3A_152 : i32 to index
        %parallel_loop3A_156 = tpu.vector_load %arg8[%parallel_loop3A_154, %parallel_loop3A_155] {strides = array<i32>} : memref<8x2048xf32, #tpu.memory_space<vmem>>, vector<16xf32>,
        tpu.vector_store %arg8[%parallel_loop3A_154, %parallel_loop3A_155], %parallel_loop3A_150 {strides = array<i32>} : memref<8x2048xf32, #tpu.memory_space<vmem>>, vector<16xf32>,
        %parallel_loop3A_157 = tpu.vector_load_idx %arg7[%broadcast_in_dim3A_7, %parallel_loop3A_142] : memref<8x4096xf32, #tpu.memory_space<vmem>>[vector<16xi32>, vector<16xi32>], vector<16xf32>,
        %parallel_loop3A_158 = arith.constant 16 : i32
        %parallel_loop3A_159 = arith.muli %parallel_loop3A_136, %parallel_loop3A_158 : i32
        %parallel_loop3A_160 = arith.constant 2 : i32
        %parallel_loop3A_161 = arith.index_cast %parallel_loop3A_160 : i32 to index
        %parallel_loop3A_162 = arith.index_cast %parallel_loop3A_159 : i32 to index
        %parallel_loop3A_163 = tpu.vector_load %arg8[%parallel_loop3A_161, %parallel_loop3A_162] {strides = array<i32>} : memref<8x2048xf32, #tpu.memory_space<vmem>>, vector<16xf32>,
        tpu.vector_store %arg8[%parallel_loop3A_161, %parallel_loop3A_162], %parallel_loop3A_157 {strides = array<i32>} : memref<8x2048xf32, #tpu.memory_space<vmem>>, vector<16xf32>,
        %parallel_loop3A_164 = tpu.vector_load_idx %arg7[%broadcast_in_dim3A_9, %parallel_loop3A_142] : memref<8x4096xf32, #tpu.memory_space<vmem>>[vector<16xi32>, vector<16xi32>], vector<16xf32>,
        %parallel_loop3A_165 = arith.constant 16 : i32
        %parallel_loop3A_166 = arith.muli %parallel_loop3A_136, %parallel_loop3A_165 : i32
        %parallel_loop3A_167 = arith.constant 3 : i32
        %parallel_loop3A_168 = arith.index_cast %parallel_loop3A_167 : i32 to index
        %parallel_loop3A_169 = arith.index_cast %parallel_loop3A_166 : i32 to index
        %parallel_loop3A_170 = tpu.vector_load %arg8[%parallel_loop3A_168, %parallel_loop3A_169] {strides = array<i32>} : memref<8x2048xf32, #tpu.memory_space<vmem>>, vector<16xf32>,
        tpu.vector_store %arg8[%parallel_loop3A_168, %parallel_loop3A_169], %parallel_loop3A_164 {strides = array<i32>} : memref<8x2048xf32, #tpu.memory_space<vmem>>, vector<16xf32>,
        %parallel_loop3A_171 = tpu.vector_load_idx %arg7[%broadcast_in_dim3A_11, %parallel_loop3A_142] : memref<8x4096xf32, #tpu.memory_space<vmem>>[vector<16xi32>, vector<16xi32>], vector<16xf32>,
        %parallel_loop3A_172 = arith.constant 16 : i32
        %parallel_loop3A_173 = arith.muli %parallel_loop3A_136, %parallel_loop3A_172 : i32
        %parallel_loop3A_174 = arith.constant 4 : i32
        %parallel_loop3A_175 = arith.index_cast %parallel_loop3A_174 : i32 to index
        %parallel_loop3A_176 = arith.index_cast %parallel_loop3A_173 : i32 to index
        %parallel_loop3A_177 = tpu.vector_load %arg8[%parallel_loop3A_175, %parallel_loop3A_176] {strides = array<i32>} : memref<8x2048xf32, #tpu.memory_space<vmem>>, vector<16xf32>,
        tpu.vector_store %arg8[%parallel_loop3A_175, %parallel_loop3A_176], %parallel_loop3A_171 {strides = array<i32>} : memref<8x2048xf32, #tpu.memory_space<vmem>>, vector<16xf32>,
        %parallel_loop3A_178 = tpu.vector_load_idx %arg7[%broadcast_in_dim3A_13, %parallel_loop3A_142] : memref<8x4096xf32, #tpu.memory_space<vmem>>[vector<16xi32>, vector<16xi32>], vector<16xf32>,
        %parallel_loop3A_179 = arith.constant 16 : i32
        %parallel_loop3A_180 = arith.muli %parallel_loop3A_136, %parallel_loop3A_179 : i32
        %parallel_loop3A_181 = arith.constant 5 : i32
        %parallel_loop3A_182 = arith.index_cast %parallel_loop3A_181 : i32 to index
        %parallel_loop3A_183 = arith.index_cast %parallel_loop3A_180 : i32 to index
        %parallel_loop3A_184 = tpu.vector_load %arg8[%parallel_loop3A_182, %parallel_loop3A_183] {strides = array<i32>} : memref<8x2048xf32, #tpu.memory_space<vmem>>, vector<16xf32>,
        tpu.vector_store %arg8[%parallel_loop3A_182, %parallel_loop3A_183], %parallel_loop3A_178 {strides = array<i32>} : memref<8x2048xf32, #tpu.memory_space<vmem>>, vector<16xf32>,
        %parallel_loop3A_185 = tpu.vector_load_idx %arg7[%broadcast_in_dim3A_15, %parallel_loop3A_142] : memref<8x4096xf32, #tpu.memory_space<vmem>>[vector<16xi32>, vector<16xi32>], vector<16xf32>,
        %parallel_loop3A_186 = arith.constant 16 : i32
        %parallel_loop3A_187 = arith.muli %parallel_loop3A_136, %parallel_loop3A_186 : i32
        %parallel_loop3A_188 = arith.constant 6 : i32
        %parallel_loop3A_189 = arith.index_cast %parallel_loop3A_188 : i32 to index
        %parallel_loop3A_190 = arith.index_cast %parallel_loop3A_187 : i32 to index
        %parallel_loop3A_191 = tpu.vector_load %arg8[%parallel_loop3A_189, %parallel_loop3A_190] {strides = array<i32>} : memref<8x2048xf32, #tpu.memory_space<vmem>>, vector<16xf32>,
        tpu.vector_store %arg8[%parallel_loop3A_189, %parallel_loop3A_190], %parallel_loop3A_185 {strides = array<i32>} : memref<8x2048xf32, #tpu.memory_space<vmem>>, vector<16xf32>,
        %parallel_loop3A_192 = tpu.vector_load_idx %arg7[%broadcast_in_dim3A_17, %parallel_loop3A_142] : memref<8x4096xf32, #tpu.memory_space<vmem>>[vector<16xi32>, vector<16xi32>], vector<16xf32>,
        %parallel_loop3A_193 = arith.constant 16 : i32
        %parallel_loop3A_194 = arith.muli %parallel_loop3A_136, %parallel_loop3A_193 : i32
        %parallel_loop3A_195 = arith.constant 7 : i32
        %parallel_loop3A_196 = arith.index_cast %parallel_loop3A_195 : i32 to index
        %parallel_loop3A_197 = arith.index_cast %parallel_loop3A_194 : i32 to index
        %parallel_loop3A_198 = tpu.vector_load %arg8[%parallel_loop3A_196, %parallel_loop3A_197] {strides = array<i32>} : memref<8x2048xf32, #tpu.memory_space<vmem>>, vector<16xf32>,
        tpu.vector_store %arg8[%parallel_loop3A_196, %parallel_loop3A_197], %parallel_loop3A_192 {strides = array<i32>} : memref<8x2048xf32, #tpu.memory_space<vmem>>, vector<16xf32>,
      } {sc.loop_unroll_factor = 8 : i64, sc.parallel_access}
      %mul3A_107 = arith.constant 8 : i32
      %mul3A_108 = arith.muli %add3A_91, %mul3A_107 : i32
      %add3A_109 = arith.addi %mul3A_2, %mul3A_108 : i32
      %dma_start3A_110 = arith.constant 0 : i32
      %dma_start3A_111 = tpu.memref_slice %arg4[%add3A_109, %dma_start3A_110] : memref<16384x4096xf32, #tpu.memory_space<hbm>> -> memref<8x2048xf32, #tpu.memory_space<hbm>>
      %dma_start3A_112 = arith.constant 0 : i32
      %dma_start3A_113 = tpu.memref_slice %arg4[%add3A_109, %dma_start3A_112] : memref<16384x4096xf32, #tpu.memory_space<hbm>> -> memref<8x2048xf32, #tpu.memory_space<hbm>>
      tpu.enqueue_dma source(%arg8 : memref<8x2048xf32, #tpu.memory_space<vmem>>) target(%dma_start3A_113 : memref<8x2048xf32, #tpu.memory_space<hbm>>) target_semaphore(%arg12 : memref<!tpu.dma_semaphore, #tpu.memory_space<semaphore_mem>>)
      %ge3A_114 = arith.constant 1 : i32
      %ge3A_115 = arith.cmpi sge, %add3A_91, %ge3A_114 : i32
      %convert_element_type3A_116 = arith.extui %ge3A_115 : i1 to i32
      %cond3A_117 = arith.constant 0 : i32
      %cond3A_118 = arith.cmpi ne, %convert_element_type3A_116, %cond3A_117 : i32
      scf.if %cond3A_118 {
        %sub3A = arith.constant 1 : i32
        %sub3A_136 = arith.subi %add3A_91, %sub3A : i32
        %mul3A_137 = arith.constant 8 : i32
        %mul3A_138 = arith.muli %sub3A_136, %mul3A_137 : i32
        %add3A_139 = arith.addi %mul3A_2, %mul3A_138 : i32
        %dma_wait3A_140 = arith.constant 2048 : i32
        %dma_wait3A_141 = tpu.memref_slice %arg4[%add3A_139, %dma_wait3A_140] : memref<16384x4096xf32, #tpu.memory_space<hbm>> -> memref<8x2048xf32, #tpu.memory_space<hbm>>
        %dma_wait3A_142 = arith.constant 2048 : i32
        %dma_wait3A_143 = tpu.memref_slice %arg4[%add3A_139, %dma_wait3A_142] : memref<16384x4096xf32, #tpu.memory_space<hbm>> -> memref<8x2048xf32, #tpu.memory_space<hbm>>
        tpu.wait_dma2 semaphore(%arg13 : memref<!tpu.dma_semaphore, #tpu.memory_space<semaphore_mem>>) src(%arg9 : memref<8x2048xf32, #tpu.memory_space<vmem>>) dst(%dma_wait3A_143 : memref<8x2048xf32, #tpu.memory_space<hbm>>)
      } else {
      }
      %parallel_loop3A_119 = arith.constant 0 : i32
      %parallel_loop3A_120 = arith.constant 128 : i32
      %parallel_loop3A_121 = arith.constant 1 : i32
      scf.for %parallel_loop3A_136 = %parallel_loop3A_119 to %parallel_loop3A_120 step %parallel_loop3A_121  : i32 {
        %parallel_loop3A_137 = arith.constant 128 : i32
        %parallel_loop3A_138 = arith.addi %parallel_loop3A_137, %parallel_loop3A_136 : i32
        %parallel_loop3A_139 = arith.constant 16 : i32
        %parallel_loop3A_140 = arith.muli %parallel_loop3A_138, %parallel_loop3A_139 : i32
        %parallel_loop3A_141 = arith.index_cast %parallel_loop3A_140 : i32 to index
        %parallel_loop3A_142 = tpu.vector_load %arg5[%parallel_loop3A_141] {strides = array<i32>} : memref<4096xi32, #tpu.memory_space<vmem>>, vector<16xi32>,
        %parallel_loop3A_143 = tpu.vector_load_idx %arg7[%broadcast_in_dim3A_3, %parallel_loop3A_142] : memref<8x4096xf32, #tpu.memory_space<vmem>>[vector<16xi32>, vector<16xi32>], vector<16xf32>,
        %parallel_loop3A_144 = arith.constant 16 : i32
        %parallel_loop3A_145 = arith.muli %parallel_loop3A_136, %parallel_loop3A_144 : i32
        %parallel_loop3A_146 = arith.constant 0 : i32
        %parallel_loop3A_147 = arith.index_cast %parallel_loop3A_146 : i32 to index
        %parallel_loop3A_148 = arith.index_cast %parallel_loop3A_145 : i32 to index
        %parallel_loop3A_149 = tpu.vector_load %arg9[%parallel_loop3A_147, %parallel_loop3A_148] {strides = array<i32>} : memref<8x2048xf32, #tpu.memory_space<vmem>>, vector<16xf32>,
        tpu.vector_store %arg9[%parallel_loop3A_147, %parallel_loop3A_148], %parallel_loop3A_143 {strides = array<i32>} : memref<8x2048xf32, #tpu.memory_space<vmem>>, vector<16xf32>,
        %parallel_loop3A_150 = tpu.vector_load_idx %arg7[%broadcast_in_dim3A_5, %parallel_loop3A_142] : memref<8x4096xf32, #tpu.memory_space<vmem>>[vector<16xi32>, vector<16xi32>], vector<16xf32>,
        %parallel_loop3A_151 = arith.constant 16 : i32
        %parallel_loop3A_152 = arith.muli %parallel_loop3A_136, %parallel_loop3A_151 : i32
        %parallel_loop3A_153 = arith.constant 1 : i32
        %parallel_loop3A_154 = arith.index_cast %parallel_loop3A_153 : i32 to index
        %parallel_loop3A_155 = arith.index_cast %parallel_loop3A_152 : i32 to index
        %parallel_loop3A_156 = tpu.vector_load %arg9[%parallel_loop3A_154, %parallel_loop3A_155] {strides = array<i32>} : memref<8x2048xf32, #tpu.memory_space<vmem>>, vector<16xf32>,
        tpu.vector_store %arg9[%parallel_loop3A_154, %parallel_loop3A_155], %parallel_loop3A_150 {strides = array<i32>} : memref<8x2048xf32, #tpu.memory_space<vmem>>, vector<16xf32>,
        %parallel_loop3A_157 = tpu.vector_load_idx %arg7[%broadcast_in_dim3A_7, %parallel_loop3A_142] : memref<8x4096xf32, #tpu.memory_space<vmem>>[vector<16xi32>, vector<16xi32>], vector<16xf32>,
        %parallel_loop3A_158 = arith.constant 16 : i32
        %parallel_loop3A_159 = arith.muli %parallel_loop3A_136, %parallel_loop3A_158 : i32
        %parallel_loop3A_160 = arith.constant 2 : i32
        %parallel_loop3A_161 = arith.index_cast %parallel_loop3A_160 : i32 to index
        %parallel_loop3A_162 = arith.index_cast %parallel_loop3A_159 : i32 to index
        %parallel_loop3A_163 = tpu.vector_load %arg9[%parallel_loop3A_161, %parallel_loop3A_162] {strides = array<i32>} : memref<8x2048xf32, #tpu.memory_space<vmem>>, vector<16xf32>,
        tpu.vector_store %arg9[%parallel_loop3A_161, %parallel_loop3A_162], %parallel_loop3A_157 {strides = array<i32>} : memref<8x2048xf32, #tpu.memory_space<vmem>>, vector<16xf32>,
        %parallel_loop3A_164 = tpu.vector_load_idx %arg7[%broadcast_in_dim3A_9, %parallel_loop3A_142] : memref<8x4096xf32, #tpu.memory_space<vmem>>[vector<16xi32>, vector<16xi32>], vector<16xf32>,
        %parallel_loop3A_165 = arith.constant 16 : i32
        %parallel_loop3A_166 = arith.muli %parallel_loop3A_136, %parallel_loop3A_165 : i32
        %parallel_loop3A_167 = arith.constant 3 : i32
        %parallel_loop3A_168 = arith.index_cast %parallel_loop3A_167 : i32 to index
        %parallel_loop3A_169 = arith.index_cast %parallel_loop3A_166 : i32 to index
        %parallel_loop3A_170 = tpu.vector_load %arg9[%parallel_loop3A_168, %parallel_loop3A_169] {strides = array<i32>} : memref<8x2048xf32, #tpu.memory_space<vmem>>, vector<16xf32>,
        tpu.vector_store %arg9[%parallel_loop3A_168, %parallel_loop3A_169], %parallel_loop3A_164 {strides = array<i32>} : memref<8x2048xf32, #tpu.memory_space<vmem>>, vector<16xf32>,
        %parallel_loop3A_171 = tpu.vector_load_idx %arg7[%broadcast_in_dim3A_11, %parallel_loop3A_142] : memref<8x4096xf32, #tpu.memory_space<vmem>>[vector<16xi32>, vector<16xi32>], vector<16xf32>,
        %parallel_loop3A_172 = arith.constant 16 : i32
        %parallel_loop3A_173 = arith.muli %parallel_loop3A_136, %parallel_loop3A_172 : i32
        %parallel_loop3A_174 = arith.constant 4 : i32
        %parallel_loop3A_175 = arith.index_cast %parallel_loop3A_174 : i32 to index
        %parallel_loop3A_176 = arith.index_cast %parallel_loop3A_173 : i32 to index
        %parallel_loop3A_177 = tpu.vector_load %arg9[%parallel_loop3A_175, %parallel_loop3A_176] {strides = array<i32>} : memref<8x2048xf32, #tpu.memory_space<vmem>>, vector<16xf32>,
        tpu.vector_store %arg9[%parallel_loop3A_175, %parallel_loop3A_176], %parallel_loop3A_171 {strides = array<i32>} : memref<8x2048xf32, #tpu.memory_space<vmem>>, vector<16xf32>,
        %parallel_loop3A_178 = tpu.vector_load_idx %arg7[%broadcast_in_dim3A_13, %parallel_loop3A_142] : memref<8x4096xf32, #tpu.memory_space<vmem>>[vector<16xi32>, vector<16xi32>], vector<16xf32>,
        %parallel_loop3A_179 = arith.constant 16 : i32
        %parallel_loop3A_180 = arith.muli %parallel_loop3A_136, %parallel_loop3A_179 : i32
        %parallel_loop3A_181 = arith.constant 5 : i32
        %parallel_loop3A_182 = arith.index_cast %parallel_loop3A_181 : i32 to index
        %parallel_loop3A_183 = arith.index_cast %parallel_loop3A_180 : i32 to index
        %parallel_loop3A_184 = tpu.vector_load %arg9[%parallel_loop3A_182, %parallel_loop3A_183] {strides = array<i32>} : memref<8x2048xf32, #tpu.memory_space<vmem>>, vector<16xf32>,
        tpu.vector_store %arg9[%parallel_loop3A_182, %parallel_loop3A_183], %parallel_loop3A_178 {strides = array<i32>} : memref<8x2048xf32, #tpu.memory_space<vmem>>, vector<16xf32>,
        %parallel_loop3A_185 = tpu.vector_load_idx %arg7[%broadcast_in_dim3A_15, %parallel_loop3A_142] : memref<8x4096xf32, #tpu.memory_space<vmem>>[vector<16xi32>, vector<16xi32>], vector<16xf32>,
        %parallel_loop3A_186 = arith.constant 16 : i32
        %parallel_loop3A_187 = arith.muli %parallel_loop3A_136, %parallel_loop3A_186 : i32
        %parallel_loop3A_188 = arith.constant 6 : i32
        %parallel_loop3A_189 = arith.index_cast %parallel_loop3A_188 : i32 to index
        %parallel_loop3A_190 = arith.index_cast %parallel_loop3A_187 : i32 to index
        %parallel_loop3A_191 = tpu.vector_load %arg9[%parallel_loop3A_189, %parallel_loop3A_190] {strides = array<i32>} : memref<8x2048xf32, #tpu.memory_space<vmem>>, vector<16xf32>,
        tpu.vector_store %arg9[%parallel_loop3A_189, %parallel_loop3A_190], %parallel_loop3A_185 {strides = array<i32>} : memref<8x2048xf32, #tpu.memory_space<vmem>>, vector<16xf32>,
        %parallel_loop3A_192 = tpu.vector_load_idx %arg7[%broadcast_in_dim3A_17, %parallel_loop3A_142] : memref<8x4096xf32, #tpu.memory_space<vmem>>[vector<16xi32>, vector<16xi32>], vector<16xf32>,
        %parallel_loop3A_193 = arith.constant 16 : i32
        %parallel_loop3A_194 = arith.muli %parallel_loop3A_136, %parallel_loop3A_193 : i32
        %parallel_loop3A_195 = arith.constant 7 : i32
        %parallel_loop3A_196 = arith.index_cast %parallel_loop3A_195 : i32 to index
        %parallel_loop3A_197 = arith.index_cast %parallel_loop3A_194 : i32 to index
        %parallel_loop3A_198 = tpu.vector_load %arg9[%parallel_loop3A_196, %parallel_loop3A_197] {strides = array<i32>} : memref<8x2048xf32, #tpu.memory_space<vmem>>, vector<16xf32>,
        tpu.vector_store %arg9[%parallel_loop3A_196, %parallel_loop3A_197], %parallel_loop3A_192 {strides = array<i32>} : memref<8x2048xf32, #tpu.memory_space<vmem>>, vector<16xf32>,
      } {sc.loop_unroll_factor = 8 : i64, sc.parallel_access}
      %mul3A_122 = arith.constant 8 : i32
      %mul3A_123 = arith.muli %add3A_91, %mul3A_122 : i32
      %add3A_124 = arith.addi %mul3A_2, %mul3A_123 : i32
      %dma_start3A_125 = arith.constant 2048 : i32
      %dma_start3A_126 = tpu.memref_slice %arg4[%add3A_124, %dma_start3A_125] : memref<16384x4096xf32, #tpu.memory_space<hbm>> -> memref<8x2048xf32, #tpu.memory_space<hbm>>
      %dma_start3A_127 = arith.constant 2048 : i32
      %dma_start3A_128 = tpu.memref_slice %arg4[%add3A_124, %dma_start3A_127] : memref<16384x4096xf32, #tpu.memory_space<hbm>> -> memref<8x2048xf32, #tpu.memory_space<hbm>>
      tpu.enqueue_dma source(%arg9 : memref<8x2048xf32, #tpu.memory_space<vmem>>) target(%dma_start3A_128 : memref<8x2048xf32, #tpu.memory_space<hbm>>) target_semaphore(%arg13 : memref<!tpu.dma_semaphore, #tpu.memory_space<semaphore_mem>>)
      %add3A_129 = arith.constant 2 : i32
      %add3A_130 = arith.addi %add3A_91, %add3A_129 : i32
      %lt3A_131 = arith.constant 64 : i32
      %lt3A_132 = arith.cmpi slt, %add3A_130, %lt3A_131 : i32
      %convert_element_type3A_133 = arith.extui %lt3A_132 : i1 to i32
      %cond3A_134 = arith.constant 0 : i32
      %cond3A_135 = arith.cmpi ne, %convert_element_type3A_133, %cond3A_134 : i32
      scf.if %cond3A_135 {
        %add3A_136 = arith.constant 2 : i32
        %add3A_137 = arith.addi %add3A_91, %add3A_136 : i32
        %mul3A_138 = arith.constant 8 : i32
        %mul3A_139 = arith.muli %add3A_137, %mul3A_138 : i32
        %add3A_140 = arith.addi %mul3A_2, %mul3A_139 : i32
        %dma_start3A_141 = arith.constant 0 : i32
        %dma_start3A_142 = tpu.memref_slice %arg2[%add3A_140, %dma_start3A_141] : memref<16384x4096xf32, #tpu.memory_space<hbm>> -> memref<8x4096xf32, #tpu.memory_space<hbm>>
        %dma_start3A_143 = arith.constant 0 : i32
        %dma_start3A_144 = tpu.memref_slice %arg2[%add3A_140, %dma_start3A_143] : memref<16384x4096xf32, #tpu.memory_space<hbm>> -> memref<8x4096xf32, #tpu.memory_space<hbm>>
        tpu.enqueue_dma source(%dma_start3A_144 : memref<8x4096xf32, #tpu.memory_space<hbm>>) target(%arg7 : memref<8x4096xf32, #tpu.memory_space<vmem>>) target_semaphore(%arg11 : memref<!tpu.dma_semaphore, #tpu.memory_space<semaphore_mem>>)
      } else {
      }
    }
    %scan3A_32 = arith.constant 32 : i32
    %add3A_33 = arith.constant 504 : i32
    %add3A_34 = arith.addi %mul3A_2, %add3A_33 : i32
    %dma_wait3A = arith.constant 0 : i32
    %dma_wait3A_35 = tpu.memref_slice %arg4[%add3A_34, %dma_wait3A] : memref<16384x4096xf32, #tpu.memory_space<hbm>> -> memref<8x2048xf32, #tpu.memory_space<hbm>>
    %dma_wait3A_36 = arith.constant 0 : i32
    %dma_wait3A_37 = tpu.memref_slice %arg4[%add3A_34, %dma_wait3A_36] : memref<16384x4096xf32, #tpu.memory_space<hbm>> -> memref<8x2048xf32, #tpu.memory_space<hbm>>
    tpu.wait_dma2 semaphore(%arg12 : memref<!tpu.dma_semaphore, #tpu.memory_space<semaphore_mem>>) src(%arg8 : memref<8x2048xf32, #tpu.memory_space<vmem>>) dst(%dma_wait3A_37 : memref<8x2048xf32, #tpu.memory_space<hbm>>)
    %add3A_38 = arith.constant 504 : i32
    %add3A_39 = arith.addi %mul3A_2, %add3A_38 : i32
    %dma_wait3A_40 = arith.constant 2048 : i32
    %dma_wait3A_41 = tpu.memref_slice %arg4[%add3A_39, %dma_wait3A_40] : memref<16384x4096xf32, #tpu.memory_space<hbm>> -> memref<8x2048xf32, #tpu.memory_space<hbm>>
    %dma_wait3A_42 = arith.constant 2048 : i32
    %dma_wait3A_43 = tpu.memref_slice %arg4[%add3A_39, %dma_wait3A_42] : memref<16384x4096xf32, #tpu.memory_space<hbm>> -> memref<8x2048xf32, #tpu.memory_space<hbm>>
    tpu.wait_dma2 semaphore(%arg13 : memref<!tpu.dma_semaphore, #tpu.memory_space<semaphore_mem>>) src(%arg9 : memref<8x2048xf32, #tpu.memory_space<vmem>>) dst(%dma_wait3A_43 : memref<8x2048xf32, #tpu.memory_space<hbm>>)
    return
  }
}

</mosaic_0001>

<sc_bundles>
// kernel: kernel.3.cloned.1.call-start
scs
__scs_entry_jumppad:
0x0: {  	(pc) =	sbr.rel $0x88, $3  }
0x1: {  	(tag) =	ssettag $0x0;
	lr =	simm.s32 $0x1  }
0x2: {  	[smem:$0x3F9F] =	sst lr;
	_ =	strace $0xD0000000  }
0x3: {  	_ = 	snop  }
0x4: {  	_ = 	snop  }
0x5: {  	_ = 	snop  }
0x6: {  	_ = 	snop  }
0x7: {  	_ = 	snop  }
__scs_overlays_trampoline_lowered:
0x8: {  	[smem:$0x3FAE] =	sst s0  }
0x9: {  	[smem:$0x3FAF] =	sst s1  }
0xa: {  	[smem:$0x3FB0] =	sst s2  }
0xb: {  	[smem:$0x3FB1] =	sst s3  }
0xc: {  	[smem:$0x3FB2] =	sst s4  }
0xd: {  	[smem:$0x3FB3] =	sst s5  }
0xe: {  	[smem:$0x3FB4] =	sst s6  }
0xf: {  	[smem:$0x3FB5] =	sst s7  }
0x10: {  	[smem:$0x3FB6] =	sst s8  }
0x11: {  	[smem:$0x3FB7] =	sst s9;
	s0 =	simm.s32 @!p0 $0x0  }
0x12: {  	s1 =	sld [smem:$0x3F9D];
	s0 =	simm.s32 @p0 $0x1  }
0x13: {  	[smem:$0x3FB8] =	sst s0;
	s0 =	simm.s32 @!p1 $0x0  }
0x14: {  	s2 =	sld [smem:$0x3F9C];
	s0 =	simm.s32 @p1 $0x1  }
0x15: {  	[smem:$0x3FB9] =	sst s0;
	s0 =	simm.s32 @!p2 $0x0  }
0x16: {  	s3 =	sld [smem:$0x3FDB];
	s0 =	simm.s32 @p2 $0x1  }
0x17: {  	s4 =	simm.s32 $0x1BF5;
	[smem:$0x3FBB] =	sst s0  }
0x18: {  	s0 =	sld [smem:$0x3F9E];
	_ =	swait.ge [sflag:s4], $0x0  }
0x19: {  	s7 =	sld [smem:$0x3F9F]  }
0x1a: {  	s8 =	sadd.s32 $0xFFFFE003, lr  }
0x1b: {  	s9 =	sadd.s32 $0xFFFFFEF7, lr;
	s5 =	simm.s32 $0xFFFFFFFF;
	p2 =	slt.u32 s8, $0xFFFFF086  }
0x1c: {  	p1 =	slt.u32 s9, $0xF7A;
	s5 =	simm.s32 @!p2 $0x0  }
0x1d: {  	s5 =	simm.s32 @p1 $0x1;
	p0 =	seq.s32 s7, s2  }
0x1e: {  	s7 =	smul.u32 @!p0 $0xF7A, s2;
	p2 =	seq.s32 @!p0 s5, $0x0  }
0x1f: {  	s9 =	smul.u32 $0xF7A, s1;
	s8 =	simm.s32 @!p0 $0x1BF5;
	p2 =	por !p2, p0  }
0x20: {  	[sflag:s8] =	ssyncset.s32 @!p0 $0xFFFFF086;
	s6 =	sadd.s32 @!p0 s3, s7;
	s7 =	simm.s32 @!p0 $0x108  }
0x21: {  	s3 =	sadd.s32 s3, s9;
	s6 =	sadd.s32 @!p0 $0x88, s6;
	s7 =	simm.s32 @p2 $0x1082  }
0x22: {  	[simem:s7], [sflag:s8] =	dma.local @!p0 [hbm:s6], $0xF7A  }
0x23: {  	s9 =	sor.u32 $0xD0000000, s2;
	s6 =	simm.s32 $0x108;
	_ =	swait.ge @!p0 [sflag:s8], $0x0  }
0x24: {  	s3 =	sadd.s32 $0x88, s3;
	s6 =	simm.s32 @!p1 $0x1082;
	[sflag:s4] =	ssyncset.s32 $0xFFFFF086  }
0x25: {  	[simem:s6], [sflag:s4] =	dma.local [hbm:s3], $0xF7A  }
0x26: {  	[smem:$0x3F9F] =	sst s1;
	(tag) =	ssettag s2;
	_ =	strace s9  }
0x27: {  	s1 =	sld [smem:$0x3FAF]  }
0x28: {  	s2 =	sld [smem:$0x3FB0]  }
0x29: {  	s4 =	sld [smem:$0x3FB2]  }
0x2a: {  	p0 =	seq.s32 s5, $0x0;
	s5 =	sld [smem:$0x3FB3]  }
0x2b: {  	s6 =	sld [smem:$0x3FB4]  }
0x2c: {  	s7 =	sld [smem:$0x3FB5]  }
0x2d: {  	s3 =	simm.s32 $0x108;
	s8 =	sld [smem:$0x3FB6]  }
0x2e: {  	s3 =	simm.s32 @!p0 $0x1082;
	s9 =	sld [smem:$0x3FB7]  }
0x2f: {  	lr =	sadd.s32 s0, s3;
	s0 =	sld [smem:$0x3FAE]  }
0x30: {  	s3 =	sld [smem:$0x3FB1]  }
0x31: {  	[smem:$0x3FBA] =	sst s10  }
0x32: {  	s10 =	sld [smem:$0x3FB8];
	_ =	sdelay $0x3  }
0x33: {  	p0 =	seq.s32 s10, $0x1;
	s10 =	sld [smem:$0x3FBA];
	_ =	sdelay $0x3  }
0x34: {  	[smem:$0x3FBA] =	sst s10  }
0x35: {  	s10 =	sld [smem:$0x3FB9];
	_ =	sdelay $0x3  }
0x36: {  	p1 =	seq.s32 s10, $0x1;
	s10 =	sld [smem:$0x3FBA];
	_ =	sdelay $0x3  }
0x37: {  	[smem:$0x3FBA] =	sst s10  }
0x38: {  	s10 =	sld [smem:$0x3FBB]  }
0x39: {  	_ = 	snop;
	(pc) =	sbr.ind lr, $3  }
0x3a: {  	_ = 	snop  }
0x3b: {  	_ = 	snop  }
0x3c: {  	p2 =	seq.s32 s10, $0x1;
	s10 =	sld [smem:$0x3FBA]  }
0x3d: {  	_ =	shalt  }
0x3e: {  	_ =	shalt  }
0x3f: {  	_ =	shalt  }
0x40: {  	_ =	shalt  }
0x41: {  	_ =	shalt  }
0x42: {  	_ =	shalt  }
0x43: {  	_ =	shalt  }
0x44: {  	_ =	shalt  }
0x45: {  	_ =	shalt  }
0x46: {  	_ =	shalt  }
0x47: {  	_ =	shalt  }
0x48: {  	_ =	shalt  }
0x49: {  	_ =	shalt  }
0x4a: {  	_ =	shalt  }
0x4b: {  	_ =	shalt  }
0x4c: {  	_ =	shalt  }
0x4d: {  	_ =	shalt  }
0x4e: {  	_ =	shalt  }
0x4f: {  	_ =	shalt  }
0x50: {  	_ =	shalt  }
0x51: {  	_ =	shalt  }
0x52: {  	_ =	shalt  }
0x53: {  	_ =	shalt  }
0x54: {  	_ =	shalt  }
0x55: {  	_ =	shalt  }
0x56: {  	_ =	shalt  }
0x57: {  	_ =	shalt  }
0x58: {  	_ =	shalt  }
0x59: {  	_ =	shalt  }
0x5a: {  	_ =	shalt  }
0x5b: {  	_ =	shalt  }
0x5c: {  	_ =	shalt  }
0x5d: {  	_ =	shalt  }
0x5e: {  	_ =	shalt  }
0x5f: {  	_ =	shalt  }
0x60: {  	_ =	shalt  }
0x61: {  	_ =	shalt  }
0x62: {  	_ =	shalt  }
0x63: {  	_ =	shalt  }
0x64: {  	_ =	shalt  }
0x65: {  	_ =	shalt  }
0x66: {  	_ =	shalt  }
0x67: {  	_ =	shalt  }
0x68: {  	_ =	shalt  }
0x69: {  	_ =	shalt  }
0x6a: {  	_ =	shalt  }
0x6b: {  	_ =	shalt  }
0x6c: {  	_ =	shalt  }
0x6d: {  	_ =	shalt  }
0x6e: {  	_ =	shalt  }
0x6f: {  	_ =	shalt  }
0x70: {  	_ =	shalt  }
0x71: {  	_ =	shalt  }
0x72: {  	_ =	shalt  }
0x73: {  	_ =	shalt  }
0x74: {  	_ =	shalt  }
0x75: {  	_ =	shalt  }
0x76: {  	_ =	shalt  }
0x77: {  	_ =	shalt  }
0x78: {  	_ =	shalt  }
0x79: {  	_ =	shalt  }
0x7a: {  	_ =	shalt  }
0x7b: {  	_ =	shalt  }
0x7c: {  	_ =	shalt  }
0x7d: {  	_ =	shalt  }
0x7e: {  	_ =	shalt  }
0x7f: {  	_ =	shalt  }
0x80: {  	_ =	shalt  }
0x81: {  	_ =	shalt  }
0x82: {  	_ =	shalt  }
0x83: {  	_ =	shalt  }
0x84: {  	_ =	shalt  }
0x85: {  	_ =	shalt  }
0x86: {  	_ =	shalt  }
0x87: {  	_ =	shalt  }
.Lfunc_end0:
.L_simem_size_0:
called_computation_lowered:
.L_overlay_start_0:
0x88: {  	s2 =	sld [smem:$0x3FD9]  }
0x89: {  	s3 =	sld [smem:$0x3FFE];
	_ =	sdelay $0x1  }
0x8a: {  	s1 =	srdreg.scid  }
0x8b: {  	s0 =	sand.u32 $0x1, s1  }
0x8c: {  	s18 =	sshll.u32 s0, $0xA;
	s2 =	sadd.s32 s3, s2  }
0x8d: {  	s2 =	sadd.s32 s2, s18  }
0x8e: {  	[smem:$0x3FC6] =	sst s2  }
0x8f: {  	_ = 	snop  }
0x90: {  	s2 =	sld [smem:$0x3FC9]  }
0x91: {  	s19 =	sld [smem:$0x3FC8]  }
0x92: {  	s4 =	sld [smem:$0x3FD0];
	(tm) =	ssettm $0x1  }
0x93: {  	s5 =	sld [smem:$0x3FFB];
	_ =	sdelay $0x3  }
0x94: {  	_ =	strace s5  }
0x95: {  	s5 =	sld [smem:$0x3FFC];
	_ =	sdelay $0x3  }
0x96: {  	_ =	strace s5  }
0x97: {  	s5 =	sld [smem:$0x3FFD];
	_ =	sdelay $0x3  }
0x98: {  	_ =	strace s5  }
0x99: {  	_ =	strace $0x8FFFFFFF  }
0x9a: {  	s20 =	sld [smem:$0x3FDB];
	_ =	sdelay $0x1  }
0x9b: {  	s6 =	simm.s32 $_scs_section_size  }
0x9c: {  	s7 =	simm.s32 $_size__tile_overlayer_lowered;
	s8 =	simm.s32 $_tile_overlayer_lowered  }
0x9d: {  	s23 =	simm.s32 $0x1BFF;
	s22 =	sshll.u32 s8, $0x1;
	s5 =	sadd.s32 s6, s20  }
0x9e: {  	s9 =	simm.s32 $0x0;
	s21 =	sshll.u32 s7, $0x1;
	s7 =	sadd.s32 s22, s5  }
0x9f: {  	[timem:s9], [sflag:s23] =	dma.local [hbm:s7], s21  }
0xa0: {  	_ =	swait.ge [sflag:s23], s21  }
0xa1: {  	s6 =	ssub.s32 $0x0, s21;
	[sflag:s23] =	ssyncset.done $0x0  }
0xa2: {  	[sflag:s23] =	ssyncadd.s32 s6;
	_ =	sdelay $0x1  }
0xa3: {  	s24 =	simm.s32 $0x1B8B  }
0xa4: {  	_ =	swait.ge [sflag:s24], $0x1  }
0xa5: {  	[sflag:s24] =	ssyncset.done $0x0  }
0xa6: {  	s25 =	simm.s32 $0x1B8E;
	[sflag:s24] =	ssyncadd.s32 $0xFFFFFFFF  }
0xa7: {  	s26 =	simm.s32 $execute0_lowered;
	[smem:$0x3FD2] =	sst s25  }
0xa8: {  	s6 =	sshll.u32 s26, $0x1;
	_ =	strace $0x80000046;
	[dreg:$0x1] =	wrdreg $0xFFFFFFFF  }
0xa9: {  	s28 =	simm.s32 $_size_execute0_lowered;
	s5 =	sadd.s32 s5, s6;
	[dreg:$0x0] =	wrdreg $0x0  }
0xaa: {  	s6 =	sshll.u32 s28, $0x1;
	[dreg:$0x2] =	wrdreg s5  }
0xab: {  	[dreg:$0x3] =	wrdreg s6  }
0xac: {  	[dreg:$0x4] =	wrdreg $0xC0  }
0xad: {  	_ =	task [dreg:s9], $0x5FFFF  }
0xae: {  	[dreg:$0x1] =	wrdreg $0xFFFFFFFF  }
0xaf: {  	[dreg:$0x0] =	wrdreg $0x60  }
0xb0: {  	[dreg:$0x2] =	wrdreg s2  }
0xb1: {  	[dreg:$0x3] =	wrdreg s19  }
0xb2: {  	[dreg:$0x4] =	wrdreg s4  }
0xb3: {  	[dreg:$0x5] =	wrdreg $0x9  }
0xb4: {  	_ =	task.clear_ibuf [dreg:s9], $0x6FFFF;
	_ =	strace $0x90000046  }
0xb5: {  	s29 =	simm.s32 $0x9;
	_ =	strace $0x80000048  }
0xb6: {  	_ =	swait.ge [sflag:s29], $0x1  }
0xb7: {  	[sflag:s29] =	ssyncadd.s32 $0xFFFFFFFF  }
0xb8: {  	_ =	strace $0x90000048  }
0xb9: {  	_ =	sfence  }
0xba: {  	s30 =	sld [smem:$0x0];
	_ =	sdelay $0x2  }
0xbb: {  	s31 =	sshll.u32 s1, $0xD;
	s1 =	sshrl.u32 s1, $0x2  }
0xbc: {  	s3 =	sand.u32 $0x4000, s31;
	s1 =	sadd.s32 s1, s30  }
0xbd: {  	s0 =	sor.u32 s3, s0;
	s1 =	sshll.u32 s1, $0x11  }
0xbe: {  	s0 =	sor.u32 s1, s0  }
0xbf: {  	s0 =	sadd.s32 $0x8F2B, s0  }
0xc0: {  	[sflag:s0] =	ssyncadd.remote.s32 $0x1  }
0xc1: {  	_ =	sfence.sel $0xFFFF  }
0xc2: {  	[dreg:$0x0] =	wrdreg $0xFFFFFFFF;
	(pc) =	sbr.abs _section_cstart, $3  }
0xc3: {  	[dreg:$0x1] =	wrdreg $0xFFFFFFFF  }
0xc4: {  	_ =	task.clear_ibuf [dreg:s9], $0x2FFFF;
	_ =	strace $0x9FFFFFFF  }
0xc5: {  	(tm) =	ssettm $0x7FFFFFFF  }
tec
execute0_lowered:
.L_overlay_start_1:
0x0: {  	(tag) =	ssettag $0x1  }
0x1: {  	s1 =	rddreg [dreg:$0x0]  }
0x2: {  	s2 =	srdreg.scid;
	s3 =	rddreg [dreg:$0x1]  }
0x3: {  	s0 =	stileid.u32;
	s4 =	rddreg [dreg:$0x2]  }
0x4: {  	s5 =	simm.s32 $0x0;
	s14 =	simm.s32 $0x5;
	s15 =	simm.s32 $0x1000  }
0x5: {  	s16 =	simm.s32 $0x9000;
	s17 =	simm.s32 $0x1;
	s18 =	simm.s32 $0x11000  }
0x6: {  	s19 =	simm.s32 $0x15000;
	s20 =	simm.s32 $0x2;
	s21 =	simm.s32 $0x3  }
0x7: {  	s22 =	simm.s32 $0x4;
	s23 =	simm.s32 $0x0;
	s2 =	sand.u32 $0x1, s2  }
0x8: {  	s6 =	sshll.u32 s0, $0xA;
	[smem:$0x7FF] =	sst s5;
	s7 =	sshll.u32 s2, $0x9  }
.Ltmp0:
0x9: {  	s2 =	ssub.s32 $0x2, s2;
	s9 =	sor.u32 s7, s6;
	(pc) =	sbr.rel .LBB2_1-.Ltmp0, $4  }
0xa: {  	_ =	strace $0x80000047;
	s8 =	sshrl.u32 s2, $0x1;
	s6 =	sshll.u32 s9, $0x9  }
0xb: {  	s2 =	ssub.s32 s2, s8;
	s11 =	sshrl.u32 s9, $0x3;
	s9 =	sadd.s32 $0x800, s4  }
0xc: {  	s7 =	sadd.s32 s1, s6;
	s10 =	sor.u32 $0x2, s11;
	s11 =	sor.u32 $0x3, s11  }
0xd: {  	s12 =	smax.u32 s2, $0x1;
	s13 =	sor.u32 $0x1000, s6;
	s8 =	sadd.s32 $0x1000, s7  }
.LBB2_12:
0xe: {  	s23 =	sadd.s32 $0x1, s23  }
0xf: {  	_ =	swait.ge [sflag:s21], $0x4000;
	p0 =	sne.s32 s23, s12  }
.Ltmp1:
0x10: {  	[sflag:s21] =	ssyncset.done $0x0;
	(pc) =	sbr.rel @!p0 .LBB2_13-.Ltmp1, $4  }
0x11: {  	[sflag:s21] =	ssyncadd.s32 $0xFFFFC000  }
0x12: {  	_ =	swait.ge [sflag:s22], $0x4000  }
0x13: {  	[sflag:s22] =	ssyncset.done $0x0  }
0x14: {  	[sflag:s22] =	ssyncadd.s32 $0xFFFFC000  }
.LBB2_1:
0x15: {  	[tilespmem:s5], [sflag:$0x5] =	stream.linear.gather [hbm4b:s3+s5], $0x1000, $0x38;
	[tilespmem:$0x19000] =	vst v63  }
0x16: {  	_ =	swait.ge [sflag:s14], $0x1000  }
0x17: {  	[sflag:s14] =	ssyncset.done $0x0  }
0x18: {  	[sflag:s14] =	ssyncadd.s32 $0xFFFFF000  }
0x19: {  	[tilespmem:s15], [sflag:$0x1] =	stream.linear.gather [hbm4b:s7+s5], $0x8000, $0x38;
	[tilespmem:$0x19000] =	vst v63  }
0x1a: {  	s24 =	simm.s32 $0x0  }
0x1b: {  	[tilespmem:s16], [sflag:$0x2] =	stream.linear.gather [hbm4b:s8+s5], $0x8000, $0x38;
	[tilespmem:$0x19000] =	vst v63  }
.LBB2_2:
0x1c: {  	_ =	swait.ge [sflag:s17], $0x8000  }
0x1d: {  	p0 =	seq.s32 s24, $0x0;
	[sflag:s17] =	ssyncset.done $0x0  }
0x1e: {  	s2 =	simm.s32 @!p0 $0x3;
	[sflag:s17] =	ssyncadd.s32 $0xFFFF8000  }
0x1f: {  	_ =	swait.ge @!p0 [sflag:s2], $0x4000  }
0x20: {  	[sflag:s2] =	ssyncset.done @!p0 $0x0  }
0x21: {  	s31 =	simm.s32 $0x40;
	[sflag:s2] =	ssyncadd.s32 @!p0 $0xFFFFC000  }
0x22: {  	v0 =	vld [tilespmem:s31+$0x30]  }
0x23: {  	v1 =	vld [tilespmem:s31+$0xFFFFFFD0]  }
0x24: {  	v6 =	vld [tilespmem:s31+$0xFFFFFFF0]  }
0x25: {  	v3 =	vld [tilespmem:s31+$0xFFFFFFE0]  }
0x26: {  	v5 =	vld [tilespmem:s31+$0xFFFFFFC0]  }
0x27: {  	v2 =	vshll.u32 v0, $0x3  }
0x28: {  	v0 =	vand.u32 $0x7F, v0;
	v2 =	vand.u32 $0xFFFFFC00, v2  }
0x29: {  	v13 =	vshll.u32 v6, $0x3;
	v4 =	vor.u32 v0, v2;
	v0 =	vshll.u32 v1, $0x3  }
0x2a: {  	v6 =	vand.u32 $0x7F, v6;
	v2 =	vand.u32 $0xFFFFFC00, v0;
	v0 =	vshll.u32 v3, $0x3  }
0x2b: {  	v8 =	vld [tilespmem:s31+$0x10];
	v1 =	vand.u32 $0x7F, v1;
	v9 =	vand.u32 $0xFFFFFC00, v0;
	v0 =	vshll.u32 v5, $0x3  }
0x2c: {  	v7 =	vld [tilespmem:s31+$0x0];
	v5 =	vand.u32 $0x7F, v5;
	v2 =	vor.u32 v1, v2;
	v0 =	vand.u32 $0xFFFFFC00, v0  }
0x2d: {  	v3 =	vand.u32 $0x7F, v3;
	v0 =	vor.u32 v5, v0;
	v5 =	vand.u32 $0xFFFFFC00, v13  }
0x2e: {  	v1 =	vor.u32 v3, v9;
	v10 =	vld.idx.msk [tilespmem:v4+s15+$0x0], $0xffff;
	v3 =	vor.u32 v6, v5  }
0x2f: {  	v12 =	vld [tilespmem:s31+$0x20];
	v11 =	vor.u32 $0x80, v4  }
0x30: {  	v9 =	vshll.u32 v8, $0x3  }
0x31: {  	v13 =	vshll.u32 v7, $0x3;
	v5 =	vand.u32 $0xFFFFFC00, v9;
	v9 =	vld.idx.msk [tilespmem:v2+s15+$0x0], $0xffff  }
0x32: {  	s26 =	simm.s32 $0x11200;
	v15 =	vor.u32 $0x80, v2;
	v7 =	vand.u32 $0x7F, v7;
	v13 =	vand.u32 $0xFFFFFC00, v13  }
0x33: {  	v6 =	vand.u32 $0x7F, v8;
	[tilespmem:s26+$0xFFFFFE70] =	vst v10;
	v10 =	vor.u32 v7, v13;
	v14 =	vld.idx.msk [tilespmem:v3+s15+$0x0], $0xffff  }
0x34: {  	v8 =	vshll.u32 v12, $0x3;
	v7 =	vld.idx.msk [tilespmem:v11+s15+$0x0], $0xffff;
	v11 =	vor.u32 v6, v5  }
0x35: {  	v13 =	vor.u32 $0x100, v4;
	v5 =	vld.idx.msk [tilespmem:v0+s15+$0x0], $0xffff;
	v6 =	vand.u32 $0xFFFFFC00, v8;
	v8 =	vand.u32 $0x7F, v12  }
0x36: {  	v12 =	vor.u32 v8, v6;
	v6 =	vld.idx.msk [tilespmem:v1+s15+$0x0], $0xffff;
	v8 =	vor.u32 $0x80, v0;
	[tilespmem:s26+$0xFFFFFE10] =	vst v9  }
0x37: {  	v15 =	vld.idx.msk [tilespmem:v15+s15+$0x0], $0xffff  }
0x38: {  	v17 =	vor.u32 $0x80, v1;
	v16 =	vld.idx.msk [tilespmem:v10+s15+$0x0], $0xffff  }
0x39: {  	v18 =	vld.idx.msk [tilespmem:v11+s15+$0x0], $0xffff;
	[tilespmem:s26+$0xFFFFFEF0] =	vst v7;
	v7 =	vor.u32 $0x80, v3  }
0x3a: {  	[tilespmem:s26+$0xFFFFFE00] =	vst v5;
	v5 =	vld.idx.msk [tilespmem:v13+s15+$0x0], $0xffff;
	v13 =	vor.u32 $0x80, v10  }
0x3b: {  	v19 =	vor.u32 $0x80, v11;
	[tilespmem:s26+$0xFFFFFE30] =	vst v14;
	v8 =	vld.idx.msk [tilespmem:v8+s15+$0x0], $0xffff  }
0x3c: {  	v9 =	vld.idx.msk [tilespmem:v12+s15+$0x0], $0xffff;
	[tilespmem:s26+$0xFFFFFE20] =	vst v6;
	v6 =	vor.u32 $0x180, v4  }
0x3d: {  	v14 =	vor.u32 $0x80, v12;
	v17 =	vld.idx.msk [tilespmem:v17+s15+$0x0], $0xffff;
	[tilespmem:s26+$0xFFFFFE40] =	vst v16  }
0x3e: {  	v16 =	vor.u32 $0x100, v0;
	v7 =	vld.idx.msk [tilespmem:v7+s15+$0x0], $0xffff;
	[tilespmem:s26+$0xFFFFFE50] =	vst v18  }
0x3f: {  	v18 =	vor.u32 $0x100, v2;
	v13 =	vld.idx.msk [tilespmem:v13+s15+$0x0], $0xffff;
	[tilespmem:s26+$0xFFFFFF70] =	vst v5  }
0x40: {  	v5 =	vor.u32 $0x100, v1;
	[tilespmem:s26+$0xFFFFFE80] =	vst v8;
	v8 =	vld.idx.msk [tilespmem:v19+s15+$0x0], $0xffff  }
0x41: {  	[tilespmem:s26+$0xFFFFFE60] =	vst v9;
	v9 =	vor.u32 $0x100, v3;
	v6 =	vld.idx.msk [tilespmem:v6+s15+$0x0], $0xffff  }
0x42: {  	[tilespmem:s26+$0xFFFFFE90] =	vst v15;
	v19 =	vor.u32 $0x100, v10;
	v14 =	vld.idx.msk [tilespmem:v14+s15+$0x0], $0xffff  }
0x43: {  	[tilespmem:s26+$0xFFFFFEA0] =	vst v17;
	v17 =	vor.u32 $0x100, v11;
	v16 =	vld.idx.msk [tilespmem:v16+s15+$0x0], $0xffff  }
0x44: {  	v15 =	vor.u32 $0x200, v4;
	v18 =	vld.idx.msk [tilespmem:v18+s15+$0x0], $0xffff;
	[tilespmem:s26+$0xFFFFFEB0] =	vst v7  }
0x45: {  	v7 =	vor.u32 $0x100, v12;
	v5 =	vld.idx.msk [tilespmem:v5+s15+$0x0], $0xffff;
	[tilespmem:s26+$0xFFFFFEC0] =	vst v13  }
0x46: {  	v13 =	vor.u32 $0x180, v0;
	v9 =	vld.idx.msk [tilespmem:v9+s15+$0x0], $0xffff;
	[tilespmem:s26+$0xFFFFFED0] =	vst v8  }
0x47: {  	[tilespmem:s26+$0xFFFFFFF0] =	vst v6;
	v6 =	vor.u32 $0x180, v2;
	v19 =	vld.idx.msk [tilespmem:v19+s15+$0x0], $0xffff  }
0x48: {  	[tilespmem:s26+$0xFFFFFEE0] =	vst v14;
	v14 =	vld.idx.msk [tilespmem:v17+s15+$0x0], $0xffff;
	v17 =	vor.u32 $0x180, v3  }
0x49: {  	v8 =	vld.idx.msk [tilespmem:v15+s15+$0x0], $0xffff;
	v15 =	vor.u32 $0x180, v1;
	[tilespmem:s26+$0xFFFFFF00] =	vst v16  }
0x4a: {  	v16 =	vor.u32 $0x280, v4;
	[tilespmem:s26+$0xFFFFFF10] =	vst v18;
	v7 =	vld.idx.msk [tilespmem:v7+s15+$0x0], $0xffff  }
0x4b: {  	v18 =	vor.u32 $0x180, v10;
	v13 =	vld.idx.msk [tilespmem:v13+s15+$0x0], $0xffff;
	[tilespmem:s26+$0xFFFFFF20] =	vst v5  }
0x4c: {  	v5 =	vor.u32 $0x180, v11;
	[tilespmem:s26+$0xFFFFFF30] =	vst v9;
	v6 =	vld.idx.msk [tilespmem:v6+s15+$0x0], $0xffff  }
0x4d: {  	v9 =	vor.u32 $0x180, v12;
	[tilespmem:s26+$0xFFFFFF40] =	vst v19;
	v17 =	vld.idx.msk [tilespmem:v17+s15+$0x0], $0xffff  }
0x4e: {  	v15 =	vld.idx.msk [tilespmem:v15+s15+$0x0], $0xffff;
	[tilespmem:s26+$0x70] =	vst v8;
	v8 =	vor.u32 $0x200, v0  }
0x4f: {  	v19 =	vor.u32 $0x200, v2;
	[tilespmem:s26+$0xFFFFFF50] =	vst v14;
	v16 =	vld.idx.msk [tilespmem:v16+s15+$0x0], $0xffff  }
0x50: {  	v14 =	vld.idx.msk [tilespmem:v18+s15+$0x0], $0xffff;
	[tilespmem:s26+$0xFFFFFF60] =	vst v7;
	v7 =	vor.u32 $0x300, v4  }
0x51: {  	v18 =	vor.u32 $0x200, v1;
	[tilespmem:s26+$0xFFFFFF80] =	vst v13;
	v5 =	vld.idx.msk [tilespmem:v5+s15+$0x0], $0xffff  }
0x52: {  	v13 =	vor.u32 $0x200, v3;
	[tilespmem:s26+$0xFFFFFF90] =	vst v6;
	v6 =	vld.idx.msk [tilespmem:v9+s15+$0x0], $0xffff  }
0x53: {  	v9 =	vor.u32 $0x200, v10;
	v8 =	vld.idx.msk [tilespmem:v8+s15+$0x0], $0xffff;
	[tilespmem:s26+$0xFFFFFFA0] =	vst v15  }
0x54: {  	v15 =	vor.u32 $0x200, v11;
	v19 =	vld.idx.msk [tilespmem:v19+s15+$0x0], $0xffff;
	[tilespmem:s26+$0xF0] =	vst v16  }
0x55: {  	[tilespmem:s26+$0xFFFFFFB0] =	vst v17;
	v16 =	vor.u32 $0x200, v12;
	v7 =	vld.idx.msk [tilespmem:v7+s15+$0x0], $0xffff  }
0x56: {  	v17 =	vor.u32 $0x280, v0;
	v18 =	vld.idx.msk [tilespmem:v18+s15+$0x0], $0xffff;
	[tilespmem:s26+$0xFFFFFFC0] =	vst v14  }
0x57: {  	v4 =	vor.u32 $0x380, v4;
	v13 =	vld.idx.msk [tilespmem:v13+s15+$0x0], $0xffff;
	[tilespmem:s26+$0xFFFFFFD0] =	vst v5  }
0x58: {  	v5 =	vor.u32 $0x280, v2;
	v9 =	vld.idx.msk [tilespmem:v9+s15+$0x0], $0xffff;
	[tilespmem:s26+$0xFFFFFFE0] =	vst v6  }
0x59: {  	v6 =	vor.u32 $0x280, v1;
	[tilespmem:s26+$0x0] =	vst v8;
	v8 =	vld.idx.msk [tilespmem:v15+s15+$0x0], $0xffff  }
0x5a: {  	v14 =	vor.u32 $0x280, v3;
	[tilespmem:s26+$0x10] =	vst v19;
	v15 =	vld.idx.msk [tilespmem:v16+s15+$0x0], $0xffff  }
0x5b: {  	v16 =	vor.u32 $0x280, v10;
	v17 =	vld.idx.msk [tilespmem:v17+s15+$0x0], $0xffff;
	[tilespmem:s26+$0x170] =	vst v7  }
0x5c: {  	v7 =	vor.u32 $0x280, v11;
	[tilespmem:s26+$0x20] =	vst v18;
	v4 =	vld.idx.msk [tilespmem:v4+s15+$0x0], $0xffff  }
0x5d: {  	v18 =	vor.u32 $0x280, v12;
	v5 =	vld.idx.msk [tilespmem:v5+s15+$0x0], $0xffff;
	[tilespmem:s26+$0x30] =	vst v13  }
0x5e: {  	v13 =	vor.u32 $0x300, v0;
	v6 =	vld.idx.msk [tilespmem:v6+s15+$0x0], $0xffff;
	[tilespmem:s26+$0x40] =	vst v9  }
0x5f: {  	v9 =	vor.u32 $0x300, v2;
	v19 =	vld.idx.msk [tilespmem:v14+s15+$0x0], $0xffff;
	[tilespmem:s26+$0x50] =	vst v8  }
0x60: {  	v20 =	vor.u32 $0x300, v1;
	v21 =	vld.idx.msk [tilespmem:v16+s15+$0x0], $0xffff;
	[tilespmem:s26+$0x60] =	vst v15  }
0x61: {  	v22 =	vor.u32 $0x300, v3;
	[tilespmem:s26+$0x80] =	vst v17;
	v17 =	vld.idx.msk [tilespmem:v7+s15+$0x0], $0xffff  }
0x62: {  	v23 =	vor.u32 $0x300, v10;
	v15 =	vld.idx.msk [tilespmem:v18+s15+$0x0], $0xffff;
	[tilespmem:s26+$0x1F0] =	vst v4  }
0x63: {  	v14 =	vld.idx.msk [tilespmem:v13+s15+$0x0], $0xffff;
	[tilespmem:s26+$0x90] =	vst v5  }
0x64: {  	v13 =	vld.idx.msk [tilespmem:v9+s15+$0x0], $0xffff;
	[tilespmem:s26+$0xA0] =	vst v6  }
0x65: {  	v8 =	vor.u32 $0x300, v11;
	v7 =	vor.u32 $0x380, v0;
	v0 =	vor.u32 $0x380, v12;
	[tilespmem:s26+$0xB0] =	vst v19;
	v16 =	vld.idx.msk [tilespmem:v20+s15+$0x0], $0xffff  }
0x66: {  	s25 =	sshll.u32 s24, $0x1;
	v5 =	vor.u32 $0x380, v1;
	v4 =	vor.u32 $0x380, v3;
	v1 =	vor.u32 $0x380, v11;
	v3 =	vld.idx.msk [tilespmem:v22+s15+$0x0], $0xffff;
	[tilespmem:s26+$0xC0] =	vst v21  }
0x67: {  	s28 =	simm.s32 $0x0;
	s30 =	simm.s32 $0xC0;
	s29 =	simm.s32 $0x11200;
	v6 =	vor.u32 $0x380, v2;
	v9 =	vor.u32 $0x300, v12;
	v2 =	vor.u32 $0x380, v10;
	v10 =	vld.idx.msk [tilespmem:v23+s15+$0x0], $0xffff;
	[tilespmem:s26+$0xD0] =	vst v17  }
.LBB2_3:
0x68: {  	v11 =	vld [tilespmem:s30+$0x30];
	s28 =	sadd.s32 $0x8, s28;
	[tilespmem:s26+$0xE0] =	vst v15  }
0x69: {  	v12 =	vld [tilespmem:s30+$0xFFFFFFD0];
	p1 =	slt.u32 s28, $0x78;
	[tilespmem:s26+$0x100] =	vst v14  }
0x6a: {  	v14 =	vld [tilespmem:s30+$0xFFFFFFE0];
	[tilespmem:s26+$0x110] =	vst v13  }
0x6b: {  	v13 =	vld [tilespmem:s30+$0xFFFFFFF0];
	[tilespmem:s26+$0x120] =	vst v16  }
0x6c: {  	v15 =	vld [tilespmem:s30+$0x0];
	[tilespmem:s26+$0x130] =	vst v3  }
0x6d: {  	v16 =	vld [tilespmem:s30+$0x10];
	v3 =	vshll.u32 v11, $0x3;
	[tilespmem:s26+$0x140] =	vst v10  }
0x6e: {  	v11 =	vand.u32 $0x7F, v11;
	v10 =	vshll.u32 v12, $0x3;
	v17 =	vld [tilespmem:s30+$0x20];
	v3 =	vand.u32 $0xFFFFFC00, v3  }
0x6f: {  	v18 =	vld [tilespmem:s30+$0xFFFFFFC0];
	v10 =	vand.u32 $0xFFFFFC00, v10;
	v19 =	vshll.u32 v14, $0x3;
	v3 =	vor.u32 v11, v3  }
0x70: {  	v11 =	vand.u32 $0x7F, v12;
	v12 =	vand.u32 $0xFFFFFC00, v19;
	v19 =	vshll.u32 v13, $0x3;
	v8 =	vld.idx.msk [tilespmem:v8+s15+$0x0], $0xffff  }
0x71: {  	v14 =	vand.u32 $0x7F, v14;
	v19 =	vand.u32 $0xFFFFFC00, v19;
	v20 =	vshll.u32 v15, $0x3;
	v9 =	vld.idx.msk [tilespmem:v9+s15+$0x0], $0xffff  }
0x72: {  	v13 =	vand.u32 $0x7F, v13;
	v20 =	vand.u32 $0xFFFFFC00, v20;
	v21 =	vshll.u32 v16, $0x3;
	v7 =	vld.idx.msk [tilespmem:v7+s15+$0x0], $0xffff  }
0x73: {  	v15 =	vand.u32 $0x7F, v15;
	v21 =	vand.u32 $0xFFFFFC00, v21;
	v22 =	vshll.u32 v17, $0x3;
	v6 =	vld.idx.msk [tilespmem:v6+s15+$0x0], $0xffff  }
0x74: {  	v23 =	vand.u32 $0x7F, v18;
	v18 =	vshll.u32 v18, $0x3;
	v22 =	vand.u32 $0xFFFFFC00, v22;
	v24 =	vld.idx.msk [tilespmem:v3+s15+$0x0], $0xffff  }
0x75: {  	v16 =	vand.u32 $0x7F, v16;
	v17 =	vand.u32 $0x7F, v17;
	v18 =	vand.u32 $0xFFFFFC00, v18;
	v5 =	vld.idx.msk [tilespmem:v5+s15+$0x0], $0xffff  }
0x76: {  	v25 =	vor.u32 v11, v10;
	v10 =	vor.u32 $0x80, v3;
	v23 =	vor.u32 v23, v18;
	v4 =	vld.idx.msk [tilespmem:v4+s15+$0x0], $0xffff;
	[tilespmem:s26+$0x150] =	vst v8  }
0x77: {  	v26 =	vor.u32 v14, v12;
	v27 =	vor.u32 v13, v19;
	v28 =	vor.u32 v15, v20;
	[tilespmem:s26+$0x160] =	vst v9  }
0x78: {  	v21 =	vor.u32 v16, v21;
	v22 =	vor.u32 v17, v22;
	v8 =	vor.u32 $0x80, v23;
	[tilespmem:s26+$0x180] =	vst v7;
	v2 =	vld.idx.msk [tilespmem:v2+s15+$0x0], $0xffff  }
0x79: {  	v29 =	vor.u32 $0x80, v27;
	v9 =	vor.u32 $0x80, v26;
	v7 =	vor.u32 $0x80, v25;
	s26 =	sadd.s32 $0x400, s26;
	[tilespmem:s29+$0x190] =	vst v6;
	v1 =	vld.idx.msk [tilespmem:v1+s15+$0x0], $0xffff  }
0x7a: {  	v30 =	vor.u32 $0x80, v28;
	v31 =	vor.u32 $0x80, v21;
	v32 =	vor.u32 $0x80, v22;
	[tilespmem:s26+$0xFFFFFE70] =	vst v24;
	v0 =	vld.idx.msk [tilespmem:v0+s15+$0x0], $0xffff  }
0x7b: {  	v33 =	vor.u32 $0x100, v25;
	v34 =	vor.u32 $0x100, v26;
	v24 =	vor.u32 $0x100, v23;
	v6 =	vld.idx.msk [tilespmem:v10+s15+$0x0], $0xffff;
	[tilespmem:s29+$0x1A0] =	vst v5  }
0x7c: {  	v35 =	vor.u32 $0x100, v27;
	v36 =	vor.u32 $0x100, v28;
	v37 =	vor.u32 $0x100, v21;
	v5 =	vld.idx.msk [tilespmem:v23+s15+$0x0], $0xffff;
	[tilespmem:s29+$0x1B0] =	vst v4  }
0x7d: {  	v39 =	vor.u32 $0x100, v22;
	v38 =	vor.u32 $0x180, v23;
	v10 =	vor.u32 $0x100, v3;
	v4 =	vld.idx.msk [tilespmem:v25+s15+$0x0], $0xffff  }
0x7e: {  	v40 =	vor.u32 $0x180, v25;
	v41 =	vor.u32 $0x180, v26;
	v42 =	vor.u32 $0x180, v27;
	v11 =	vld.idx.msk [tilespmem:v26+s15+$0x0], $0xffff;
	[tilespmem:s29+$0x1C0] =	vst v2  }
0x7f: {  	v43 =	vor.u32 $0x180, v28;
	v44 =	vor.u32 $0x180, v21;
	v45 =	vor.u32 $0x180, v22;
	v2 =	vld.idx.msk [tilespmem:v27+s15+$0x0], $0xffff;
	[tilespmem:s29+$0x1D0] =	vst v1  }
0x80: {  	v47 =	vor.u32 $0x200, v25;
	v48 =	vor.u32 $0x200, v26;
	v46 =	vor.u32 $0x200, v23;
	v1 =	vld.idx.msk [tilespmem:v28+s15+$0x0], $0xffff;
	[tilespmem:s29+$0x1E0] =	vst v0;
	s29 =	smov.u32 s26  }
0x81: {  	v49 =	vor.u32 $0x200, v27;
	v50 =	vor.u32 $0x200, v28;
	v51 =	vor.u32 $0x200, v21;
	v0 =	vld.idx.msk [tilespmem:v21+s15+$0x0], $0xffff;
	[tilespmem:s26+$0xFFFFFEF0] =	vst v6  }
0x82: {  	v18 =	vor.u32 $0x280, v25;
	v53 =	vor.u32 $0x200, v22;
	v52 =	vor.u32 $0x280, v23;
	[tilespmem:s26+$0xFFFFFE00] =	vst v5;
	v54 =	vld.idx.msk [tilespmem:v10+s15+$0x0], $0xffff  }
0x83: {  	v20 =	vor.u32 $0x280, v26;
	v19 =	vor.u32 $0x280, v27;
	v15 =	vor.u32 $0x280, v28;
	[tilespmem:s26+$0xFFFFFE10] =	vst v4;
	v55 =	vld.idx.msk [tilespmem:v22+s15+$0x0], $0xffff  }
0x84: {  	v57 =	vor.u32 $0x180, v3;
	v17 =	vor.u32 $0x280, v21;
	v16 =	vor.u32 $0x280, v22;
	v56 =	vld.idx.msk [tilespmem:v8+s15+$0x0], $0xffff;
	[tilespmem:s26+$0xFFFFFE20] =	vst v11  }
0x85: {  	v13 =	vor.u32 $0x300, v25;
	v14 =	vor.u32 $0x300, v23;
	v10 =	vor.u32 $0x300, v26;
	v58 =	vld.idx.msk [tilespmem:v7+s15+$0x0], $0xffff;
	[tilespmem:s26+$0xFFFFFE30] =	vst v2  }
0x86: {  	v12 =	vor.u32 $0x300, v27;
	v11 =	vor.u32 $0x300, v28;
	v8 =	vor.u32 $0x300, v21;
	v59 =	vld.idx.msk [tilespmem:v9+s15+$0x0], $0xffff;
	[tilespmem:s26+$0xFFFFFE40] =	vst v1  }
0x87: {  	v6 =	vor.u32 $0x380, v25;
	v7 =	vor.u32 $0x380, v23;
	v9 =	vor.u32 $0x300, v22;
	v23 =	vld.idx.msk [tilespmem:v29+s15+$0x0], $0xffff;
	[tilespmem:s26+$0xFFFFFE50] =	vst v0  }
0x88: {  	v5 =	vor.u32 $0x380, v26;
	v4 =	vor.u32 $0x380, v27;
	v2 =	vor.u32 $0x380, v28;
	v25 =	vld.idx.msk [tilespmem:v30+s15+$0x0], $0xffff;
	[tilespmem:s26+$0xFFFFFF70] =	vst v54  }
0x89: {  	v1 =	vor.u32 $0x380, v21;
	v0 =	vor.u32 $0x380, v22;
	[tilespmem:s26+$0xFFFFFE60] =	vst v55;
	v21 =	vld.idx.msk [tilespmem:v57+s15+$0x0], $0xffff  }
0x8a: {  	[tilespmem:s26+$0xFFFFFE80] =	vst v56;
	v22 =	vld.idx.msk [tilespmem:v31+s15+$0x0], $0xffff  }
0x8b: {  	v27 =	vor.u32 $0x200, v3;
	[tilespmem:s26+$0xFFFFFE90] =	vst v58;
	v26 =	vld.idx.msk [tilespmem:v32+s15+$0x0], $0xffff  }
0x8c: {  	v24 =	vld.idx.msk [tilespmem:v24+s15+$0x0], $0xffff;
	[tilespmem:s26+$0xFFFFFEA0] =	vst v59  }
0x8d: {  	v28 =	vld.idx.msk [tilespmem:v33+s15+$0x0], $0xffff;
	[tilespmem:s26+$0xFFFFFEB0] =	vst v23  }
0x8e: {  	v23 =	vld.idx.msk [tilespmem:v34+s15+$0x0], $0xffff;
	[tilespmem:s26+$0xFFFFFEC0] =	vst v25  }
0x8f: {  	v25 =	vld.idx.msk [tilespmem:v35+s15+$0x0], $0xffff;
	[tilespmem:s26+$0xFFFFFFF0] =	vst v21  }
0x90: {  	[tilespmem:s26+$0xFFFFFED0] =	vst v22;
	v21 =	vld.idx.msk [tilespmem:v27+s15+$0x0], $0xffff  }
0x91: {  	v22 =	vld.idx.msk [tilespmem:v36+s15+$0x0], $0xffff;
	[tilespmem:s26+$0xFFFFFEE0] =	vst v26  }
0x92: {  	v26 =	vor.u32 $0x280, v3;
	[tilespmem:s26+$0xFFFFFF00] =	vst v24;
	v24 =	vld.idx.msk [tilespmem:v37+s15+$0x0], $0xffff  }
0x93: {  	[tilespmem:s26+$0xFFFFFF10] =	vst v28;
	v27 =	vld.idx.msk [tilespmem:v39+s15+$0x0], $0xffff  }
0x94: {  	v28 =	vld.idx.msk [tilespmem:v38+s15+$0x0], $0xffff;
	[tilespmem:s26+$0xFFFFFF20] =	vst v23  }
0x95: {  	v23 =	vld.idx.msk [tilespmem:v40+s15+$0x0], $0xffff;
	[tilespmem:s26+$0xFFFFFF30] =	vst v25  }
0x96: {  	v25 =	vld.idx.msk [tilespmem:v41+s15+$0x0], $0xffff;
	[tilespmem:s26+$0x70] =	vst v21  }
0x97: {  	[tilespmem:s26+$0xFFFFFF40] =	vst v22;
	v21 =	vld.idx.msk [tilespmem:v26+s15+$0x0], $0xffff  }
0x98: {  	v22 =	vld.idx.msk [tilespmem:v42+s15+$0x0], $0xffff;
	[tilespmem:s26+$0xFFFFFF50] =	vst v24  }
0x99: {  	v26 =	vor.u32 $0x300, v3;
	v24 =	vld.idx.msk [tilespmem:v43+s15+$0x0], $0xffff;
	[tilespmem:s26+$0xFFFFFF60] =	vst v27  }
0x9a: {  	[tilespmem:s26+$0xFFFFFF80] =	vst v28;
	v27 =	vld.idx.msk [tilespmem:v44+s15+$0x0], $0xffff  }
0x9b: {  	[tilespmem:s26+$0xFFFFFF90] =	vst v23;
	v23 =	vld.idx.msk [tilespmem:v45+s15+$0x0], $0xffff  }
0x9c: {  	v28 =	vld.idx.msk [tilespmem:v46+s15+$0x0], $0xffff;
	[tilespmem:s26+$0xFFFFFFA0] =	vst v25  }
0x9d: {  	v25 =	vld.idx.msk [tilespmem:v47+s15+$0x0], $0xffff;
	[tilespmem:s26+$0xF0] =	vst v21  }
0x9e: {  	[tilespmem:s26+$0xFFFFFFB0] =	vst v22;
	v21 =	vld.idx.msk [tilespmem:v26+s15+$0x0], $0xffff  }
0x9f: {  	v22 =	vld.idx.msk [tilespmem:v48+s15+$0x0], $0xffff;
	[tilespmem:s26+$0xFFFFFFC0] =	vst v24  }
0xa0: {  	v3 =	vor.u32 $0x380, v3;
	v24 =	vld.idx.msk [tilespmem:v49+s15+$0x0], $0xffff;
	[tilespmem:s26+$0xFFFFFFD0] =	vst v27  }
0xa1: {  	v26 =	vld.idx.msk [tilespmem:v50+s15+$0x0], $0xffff;
	[tilespmem:s26+$0xFFFFFFE0] =	vst v23  }
0xa2: {  	[tilespmem:s26+$0x0] =	vst v28;
	v23 =	vld.idx.msk [tilespmem:v51+s15+$0x0], $0xffff  }
0xa3: {  	[tilespmem:s26+$0x10] =	vst v25;
	v25 =	vld.idx.msk [tilespmem:v53+s15+$0x0], $0xffff  }
0xa4: {  	v27 =	vld.idx.msk [tilespmem:v52+s15+$0x0], $0xffff;
	[tilespmem:s26+$0x170] =	vst v21  }
0xa5: {  	[tilespmem:s26+$0x20] =	vst v22;
	v3 =	vld.idx.msk [tilespmem:v3+s15+$0x0], $0xffff  }
0xa6: {  	v18 =	vld.idx.msk [tilespmem:v18+s15+$0x0], $0xffff;
	[tilespmem:s26+$0x30] =	vst v24  }
0xa7: {  	v20 =	vld.idx.msk [tilespmem:v20+s15+$0x0], $0xffff;
	[tilespmem:s26+$0x40] =	vst v26  }
0xa8: {  	v19 =	vld.idx.msk [tilespmem:v19+s15+$0x0], $0xffff;
	[tilespmem:s26+$0x50] =	vst v23  }
0xa9: {  	v21 =	vld.idx.msk [tilespmem:v15+s15+$0x0], $0xffff;
	[tilespmem:s26+$0x60] =	vst v25  }
0xaa: {  	[tilespmem:s26+$0x80] =	vst v27;
	v17 =	vld.idx.msk [tilespmem:v17+s15+$0x0], $0xffff  }
0xab: {  	v15 =	vld.idx.msk [tilespmem:v16+s15+$0x0], $0xffff;
	[tilespmem:s26+$0x1F0] =	vst v3  }
.Ltmp2:
0xac: {  	v14 =	vld.idx.msk [tilespmem:v14+s15+$0x0], $0xffff;
	[tilespmem:s26+$0x90] =	vst v18;
	(pc) =	sbr.rel @p1 .LBB2_3-.Ltmp2, $4  }
0xad: {  	v13 =	vld.idx.msk [tilespmem:v13+s15+$0x0], $0xffff;
	[tilespmem:s26+$0xA0] =	vst v20  }
0xae: {  	v16 =	vld.idx.msk [tilespmem:v10+s15+$0x0], $0xffff;
	[tilespmem:s26+$0xB0] =	vst v19  }
0xaf: {  	v3 =	vld.idx.msk [tilespmem:v12+s15+$0x0], $0xffff;
	[tilespmem:s26+$0xC0] =	vst v21  }
0xb0: {  	s30 =	sadd.s32 $0x80, s30;
	v10 =	vld.idx.msk [tilespmem:v11+s15+$0x0], $0xffff;
	[tilespmem:s26+$0xD0] =	vst v17  }
0xb1: {  	_ =	sdelay $0x2  }
0xb2: {  	[tilespmem:s26+$0xE0] =	vst v15  }
0xb3: {  	[tilespmem:s26+$0x100] =	vst v14;
	v8 =	vld.idx.msk [tilespmem:v8+s15+$0x0], $0xffff  }
0xb4: {  	[tilespmem:s26+$0x110] =	vst v13;
	v9 =	vld.idx.msk [tilespmem:v9+s15+$0x0], $0xffff  }
0xb5: {  	v7 =	vld.idx.msk [tilespmem:v7+s15+$0x0], $0xffff;
	[tilespmem:s26+$0x120] =	vst v16  }
0xb6: {  	[tilespmem:s26+$0x130] =	vst v3;
	v3 =	vld.idx.msk [tilespmem:v6+s15+$0x0], $0xffff  }
0xb7: {  	v5 =	vld.idx.msk [tilespmem:v5+s15+$0x0], $0xffff;
	[tilespmem:s26+$0x140] =	vst v10  }
0xb8: {  	v4 =	vld.idx.msk [tilespmem:v4+s15+$0x0], $0xffff;
	[tilespmem:s26+$0x150] =	vst v8  }
0xb9: {  	v2 =	vld.idx.msk [tilespmem:v2+s15+$0x0], $0xffff;
	[tilespmem:s26+$0x160] =	vst v9  }
0xba: {  	[tilespmem:s26+$0x180] =	vst v7;
	v1 =	vld.idx.msk [tilespmem:v1+s15+$0x0], $0xffff  }
0xbb: {  	v0 =	vld.idx.msk [tilespmem:v0+s15+$0x0], $0xffff;
	[tilespmem:s29+$0x190] =	vst v3  }
0xbc: {  	[tilespmem:s29+$0x1A0] =	vst v5  }
0xbd: {  	[tilespmem:s29+$0x1B0] =	vst v4  }
0xbe: {  	s26 =	sshll.u32 s24, $0xD;
	[tilespmem:s29+$0x1C0] =	vst v2  }
0xbf: {  	s28 =	sadd.s32 s6, s26;
	[tilespmem:s29+$0x1D0] =	vst v1  }
0xc0: {  	s2 =	sadd.s32 s4, s28;
	[tilespmem:s29+$0x1E0] =	vst v0  }
0xc1: {  	[hbm4b:s2+s5] =	stream.linear.scatter [tilespmem:s18], [sflag:$0x3], $0x4000, $0x38;
	[tilespmem:$0x19000] =	vst v63  }
0xc2: {  	s2 =	simm.s32 @!p0 $0x4  }
0xc3: {  	_ =	swait.ge @!p0 [sflag:s2], $0x4000  }
0xc4: {  	[sflag:s2] =	ssyncset.done @!p0 $0x0  }
0xc5: {  	[sflag:s2] =	ssyncadd.s32 @!p0 $0xFFFFC000;
	s2 =	simm.s32 $0x870  }
0xc6: {  	v0 =	vld [tilespmem:s2+$0x0];
	_ =	sdelay $0x3  }
0xc7: {  	v1 =	vld [tilespmem:s2+$0xFFFFFFA0]  }
0xc8: {  	v2 =	vshll.u32 v0, $0x3  }
0xc9: {  	v3 =	vld [tilespmem:s2+$0xFFFFFFB0];
	v0 =	vand.u32 $0x7F, v0;
	v2 =	vand.u32 $0xFFFFFC00, v2  }
0xca: {  	v5 =	vld [tilespmem:s2+$0xFFFFFF90];
	v4 =	vor.u32 v0, v2;
	_ =	sdelay $0x1  }
0xcb: {  	v2 =	vld [tilespmem:s2+$0xFFFFFFC0];
	v0 =	vshll.u32 v1, $0x3  }
0xcc: {  	v7 =	vld [tilespmem:s2+$0xFFFFFFE0];
	v1 =	vand.u32 $0x7F, v1;
	v8 =	vand.u32 $0xFFFFFC00, v0  }
0xcd: {  	v6 =	vld [tilespmem:s2+$0xFFFFFFD0];
	v0 =	vshll.u32 v3, $0x3;
	v1 =	vor.u32 v1, v8  }
0xce: {  	v11 =	vor.u32 $0x80, v4;
	v9 =	vand.u32 $0xFFFFFC00, v0;
	v0 =	vshll.u32 v5, $0x3;
	v10 =	vld.idx.msk [tilespmem:v4+s15+$0x0], $0xffff  }
0xcf: {  	v12 =	vld [tilespmem:s2+$0xFFFFFFF0];
	v3 =	vand.u32 $0x7F, v3;
	v5 =	vand.u32 $0x7F, v5;
	v0 =	vand.u32 $0xFFFFFC00, v0  }
0xd0: {  	v0 =	vor.u32 v5, v0;
	v13 =	vshll.u32 v2, $0x3;
	v8 =	vand.u32 $0x7F, v2  }
0xd1: {  	v2 =	vor.u32 v3, v9;
	v9 =	vshll.u32 v7, $0x3;
	v5 =	vand.u32 $0xFFFFFC00, v13  }
0xd2: {  	s29 =	simm.s32 $0x15200;
	v13 =	vshll.u32 v6, $0x3;
	v3 =	vor.u32 v8, v5;
	v5 =	vand.u32 $0xFFFFFC00, v9;
	v9 =	vld.idx.msk [tilespmem:v1+s15+$0x0], $0xffff  }
0xd3: {  	v15 =	vor.u32 $0x80, v1;
	v6 =	vand.u32 $0x7F, v6;
	v13 =	vand.u32 $0xFFFFFC00, v13;
	[tilespmem:s29+$0xFFFFFE70] =	vst v10  }
0xd4: {  	v7 =	vand.u32 $0x7F, v7;
	v8 =	vshll.u32 v12, $0x3;
	v10 =	vor.u32 v6, v13;
	v6 =	vld.idx.msk [tilespmem:v11+s15+$0x0], $0xffff  }
0xd5: {  	v11 =	vor.u32 v7, v5;
	v5 =	vld.idx.msk [tilespmem:v0+s15+$0x0], $0xffff;
	v7 =	vand.u32 $0xFFFFFC00, v8;
	v8 =	vand.u32 $0x7F, v12  }
0xd6: {  	v13 =	vor.u32 $0x100, v4;
	v12 =	vor.u32 v8, v7;
	v7 =	vld.idx.msk [tilespmem:v2+s15+$0x0], $0xffff  }
0xd7: {  	v8 =	vor.u32 $0x80, v0;
	v14 =	vld.idx.msk [tilespmem:v3+s15+$0x0], $0xffff;
	[tilespmem:s29+$0xFFFFFE10] =	vst v9  }
0xd8: {  	v15 =	vld.idx.msk [tilespmem:v15+s15+$0x0], $0xffff  }
0xd9: {  	v17 =	vor.u32 $0x80, v2;
	v16 =	vld.idx.msk [tilespmem:v10+s15+$0x0], $0xffff  }
0xda: {  	v18 =	vld.idx.msk [tilespmem:v11+s15+$0x0], $0xffff;
	[tilespmem:s29+$0xFFFFFEF0] =	vst v6;
	v6 =	vor.u32 $0x80, v3  }
0xdb: {  	[tilespmem:s29+$0xFFFFFE00] =	vst v5;
	v5 =	vld.idx.msk [tilespmem:v13+s15+$0x0], $0xffff;
	v13 =	vor.u32 $0x80, v10  }
0xdc: {  	v19 =	vor.u32 $0x80, v11;
	v8 =	vld.idx.msk [tilespmem:v8+s15+$0x0], $0xffff;
	[tilespmem:s29+$0xFFFFFE20] =	vst v7  }
0xdd: {  	v9 =	vld.idx.msk [tilespmem:v12+s15+$0x0], $0xffff;
	v7 =	vor.u32 $0x180, v4;
	[tilespmem:s29+$0xFFFFFE30] =	vst v14  }
0xde: {  	v14 =	vor.u32 $0x80, v12;
	v17 =	vld.idx.msk [tilespmem:v17+s15+$0x0], $0xffff;
	[tilespmem:s29+$0xFFFFFE40] =	vst v16  }
0xdf: {  	v16 =	vor.u32 $0x100, v0;
	v6 =	vld.idx.msk [tilespmem:v6+s15+$0x0], $0xffff;
	[tilespmem:s29+$0xFFFFFE50] =	vst v18  }
0xe0: {  	v18 =	vor.u32 $0x100, v1;
	v13 =	vld.idx.msk [tilespmem:v13+s15+$0x0], $0xffff;
	[tilespmem:s29+$0xFFFFFF70] =	vst v5  }
0xe1: {  	v5 =	vor.u32 $0x100, v2;
	[tilespmem:s29+$0xFFFFFE80] =	vst v8;
	v8 =	vld.idx.msk [tilespmem:v19+s15+$0x0], $0xffff  }
0xe2: {  	[tilespmem:s29+$0xFFFFFE60] =	vst v9;
	v9 =	vor.u32 $0x100, v3;
	v7 =	vld.idx.msk [tilespmem:v7+s15+$0x0], $0xffff  }
0xe3: {  	[tilespmem:s29+$0xFFFFFE90] =	vst v15;
	v19 =	vor.u32 $0x100, v10;
	v14 =	vld.idx.msk [tilespmem:v14+s15+$0x0], $0xffff  }
0xe4: {  	[tilespmem:s29+$0xFFFFFEA0] =	vst v17;
	v17 =	vor.u32 $0x100, v11;
	v16 =	vld.idx.msk [tilespmem:v16+s15+$0x0], $0xffff  }
0xe5: {  	v15 =	vor.u32 $0x200, v4;
	v18 =	vld.idx.msk [tilespmem:v18+s15+$0x0], $0xffff;
	[tilespmem:s29+$0xFFFFFEB0] =	vst v6  }
0xe6: {  	v6 =	vor.u32 $0x100, v12;
	v5 =	vld.idx.msk [tilespmem:v5+s15+$0x0], $0xffff;
	[tilespmem:s29+$0xFFFFFEC0] =	vst v13  }
0xe7: {  	v13 =	vor.u32 $0x180, v0;
	v9 =	vld.idx.msk [tilespmem:v9+s15+$0x0], $0xffff;
	[tilespmem:s29+$0xFFFFFED0] =	vst v8  }
0xe8: {  	[tilespmem:s29+$0xFFFFFFF0] =	vst v7;
	v7 =	vor.u32 $0x180, v1;
	v19 =	vld.idx.msk [tilespmem:v19+s15+$0x0], $0xffff  }
0xe9: {  	[tilespmem:s29+$0xFFFFFEE0] =	vst v14;
	v14 =	vld.idx.msk [tilespmem:v17+s15+$0x0], $0xffff;
	v17 =	vor.u32 $0x180, v3  }
0xea: {  	v8 =	vld.idx.msk [tilespmem:v15+s15+$0x0], $0xffff;
	v15 =	vor.u32 $0x180, v2;
	[tilespmem:s29+$0xFFFFFF00] =	vst v16  }
0xeb: {  	v16 =	vor.u32 $0x280, v4;
	[tilespmem:s29+$0xFFFFFF10] =	vst v18;
	v6 =	vld.idx.msk [tilespmem:v6+s15+$0x0], $0xffff  }
0xec: {  	v18 =	vor.u32 $0x180, v10;
	v13 =	vld.idx.msk [tilespmem:v13+s15+$0x0], $0xffff;
	[tilespmem:s29+$0xFFFFFF20] =	vst v5  }
0xed: {  	v5 =	vor.u32 $0x180, v11;
	[tilespmem:s29+$0xFFFFFF30] =	vst v9;
	v7 =	vld.idx.msk [tilespmem:v7+s15+$0x0], $0xffff  }
0xee: {  	v9 =	vor.u32 $0x180, v12;
	[tilespmem:s29+$0xFFFFFF40] =	vst v19;
	v17 =	vld.idx.msk [tilespmem:v17+s15+$0x0], $0xffff  }
0xef: {  	v15 =	vld.idx.msk [tilespmem:v15+s15+$0x0], $0xffff;
	[tilespmem:s29+$0x70] =	vst v8;
	v8 =	vor.u32 $0x200, v0  }
0xf0: {  	v19 =	vor.u32 $0x200, v1;
	[tilespmem:s29+$0xFFFFFF50] =	vst v14;
	v16 =	vld.idx.msk [tilespmem:v16+s15+$0x0], $0xffff  }
0xf1: {  	v14 =	vld.idx.msk [tilespmem:v18+s15+$0x0], $0xffff;
	[tilespmem:s29+$0xFFFFFF60] =	vst v6;
	v6 =	vor.u32 $0x300, v4  }
0xf2: {  	v18 =	vor.u32 $0x200, v2;
	[tilespmem:s29+$0xFFFFFF80] =	vst v13;
	v5 =	vld.idx.msk [tilespmem:v5+s15+$0x0], $0xffff  }
0xf3: {  	v13 =	vor.u32 $0x200, v3;
	[tilespmem:s29+$0xFFFFFF90] =	vst v7;
	v7 =	vld.idx.msk [tilespmem:v9+s15+$0x0], $0xffff  }
0xf4: {  	v9 =	vor.u32 $0x200, v10;
	v8 =	vld.idx.msk [tilespmem:v8+s15+$0x0], $0xffff;
	[tilespmem:s29+$0xFFFFFFA0] =	vst v15  }
0xf5: {  	v15 =	vor.u32 $0x200, v11;
	v19 =	vld.idx.msk [tilespmem:v19+s15+$0x0], $0xffff;
	[tilespmem:s29+$0xF0] =	vst v16  }
0xf6: {  	[tilespmem:s29+$0xFFFFFFB0] =	vst v17;
	v16 =	vor.u32 $0x200, v12;
	v6 =	vld.idx.msk [tilespmem:v6+s15+$0x0], $0xffff  }
0xf7: {  	v17 =	vor.u32 $0x280, v0;
	v18 =	vld.idx.msk [tilespmem:v18+s15+$0x0], $0xffff;
	[tilespmem:s29+$0xFFFFFFC0] =	vst v14  }
0xf8: {  	v4 =	vor.u32 $0x380, v4;
	v13 =	vld.idx.msk [tilespmem:v13+s15+$0x0], $0xffff;
	[tilespmem:s29+$0xFFFFFFD0] =	vst v5  }
0xf9: {  	v5 =	vor.u32 $0x280, v1;
	v9 =	vld.idx.msk [tilespmem:v9+s15+$0x0], $0xffff;
	[tilespmem:s29+$0xFFFFFFE0] =	vst v7  }
0xfa: {  	v7 =	vor.u32 $0x280, v2;
	[tilespmem:s29+$0x0] =	vst v8;
	v8 =	vld.idx.msk [tilespmem:v15+s15+$0x0], $0xffff  }
0xfb: {  	v14 =	vor.u32 $0x280, v3;
	[tilespmem:s29+$0x10] =	vst v19;
	v15 =	vld.idx.msk [tilespmem:v16+s15+$0x0], $0xffff  }
0xfc: {  	v16 =	vor.u32 $0x280, v10;
	v17 =	vld.idx.msk [tilespmem:v17+s15+$0x0], $0xffff;
	[tilespmem:s29+$0x170] =	vst v6  }
0xfd: {  	v6 =	vor.u32 $0x280, v11;
	[tilespmem:s29+$0x20] =	vst v18;
	v4 =	vld.idx.msk [tilespmem:v4+s15+$0x0], $0xffff  }
0xfe: {  	v18 =	vor.u32 $0x280, v12;
	v5 =	vld.idx.msk [tilespmem:v5+s15+$0x0], $0xffff;
	[tilespmem:s29+$0x30] =	vst v13  }
0xff: {  	v13 =	vor.u32 $0x300, v0;
	v7 =	vld.idx.msk [tilespmem:v7+s15+$0x0], $0xffff;
	[tilespmem:s29+$0x40] =	vst v9  }
0x100: {  	v9 =	vor.u32 $0x300, v1;
	v19 =	vld.idx.msk [tilespmem:v14+s15+$0x0], $0xffff;
	[tilespmem:s29+$0x50] =	vst v8  }
0x101: {  	v20 =	vor.u32 $0x300, v2;
	v21 =	vld.idx.msk [tilespmem:v16+s15+$0x0], $0xffff;
	[tilespmem:s29+$0x60] =	vst v15  }
0x102: {  	v22 =	vor.u32 $0x300, v3;
	[tilespmem:s29+$0x80] =	vst v17;
	v17 =	vld.idx.msk [tilespmem:v6+s15+$0x0], $0xffff  }
0x103: {  	v23 =	vor.u32 $0x300, v10;
	v15 =	vld.idx.msk [tilespmem:v18+s15+$0x0], $0xffff;
	[tilespmem:s29+$0x1F0] =	vst v4  }
0x104: {  	v14 =	vld.idx.msk [tilespmem:v13+s15+$0x0], $0xffff;
	[tilespmem:s29+$0x90] =	vst v5  }
0x105: {  	v13 =	vld.idx.msk [tilespmem:v9+s15+$0x0], $0xffff;
	[tilespmem:s29+$0xA0] =	vst v7  }
0x106: {  	v8 =	vor.u32 $0x300, v11;
	v6 =	vor.u32 $0x380, v1;
	v1 =	vor.u32 $0x380, v11;
	[tilespmem:s29+$0xB0] =	vst v19;
	v16 =	vld.idx.msk [tilespmem:v20+s15+$0x0], $0xffff  }
0x107: {  	v5 =	vor.u32 $0x380, v2;
	v4 =	vor.u32 $0x380, v3;
	v2 =	vor.u32 $0x380, v10;
	v3 =	vld.idx.msk [tilespmem:v22+s15+$0x0], $0xffff;
	[tilespmem:s29+$0xC0] =	vst v21  }
0x108: {  	s31 =	simm.s32 $0x0;
	s30 =	simm.s32 $0x15200;
	s2 =	simm.s32 $0x8F0;
	v7 =	vor.u32 $0x380, v0;
	v9 =	vor.u32 $0x300, v12;
	v0 =	vor.u32 $0x380, v12;
	v10 =	vld.idx.msk [tilespmem:v23+s15+$0x0], $0xffff;
	[tilespmem:s29+$0xD0] =	vst v17  }
.LBB2_5:
0x109: {  	v11 =	vld [tilespmem:s2+$0x0];
	s31 =	sadd.s32 $0x8, s31;
	[tilespmem:s29+$0xE0] =	vst v15  }
0x10a: {  	v12 =	vld [tilespmem:s2+$0xFFFFFFA0];
	p0 =	slt.u32 s31, $0x78;
	[tilespmem:s29+$0x100] =	vst v14  }
0x10b: {  	v14 =	vld [tilespmem:s2+$0xFFFFFFB0];
	[tilespmem:s29+$0x110] =	vst v13  }
0x10c: {  	v13 =	vld [tilespmem:s2+$0xFFFFFFC0];
	[tilespmem:s29+$0x120] =	vst v16  }
0x10d: {  	v15 =	vld [tilespmem:s2+$0xFFFFFFD0];
	[tilespmem:s29+$0x130] =	vst v3  }
0x10e: {  	v16 =	vld [tilespmem:s2+$0xFFFFFFE0];
	v3 =	vshll.u32 v11, $0x3;
	[tilespmem:s29+$0x140] =	vst v10  }
0x10f: {  	v11 =	vand.u32 $0x7F, v11;
	v10 =	vshll.u32 v12, $0x3;
	v17 =	vld [tilespmem:s2+$0xFFFFFFF0];
	v3 =	vand.u32 $0xFFFFFC00, v3  }
0x110: {  	v18 =	vld [tilespmem:s2+$0xFFFFFF90];
	v10 =	vand.u32 $0xFFFFFC00, v10;
	v19 =	vshll.u32 v14, $0x3;
	v3 =	vor.u32 v11, v3  }
0x111: {  	v11 =	vand.u32 $0x7F, v12;
	v12 =	vand.u32 $0xFFFFFC00, v19;
	v19 =	vshll.u32 v13, $0x3;
	v8 =	vld.idx.msk [tilespmem:v8+s15+$0x0], $0xffff  }
0x112: {  	v14 =	vand.u32 $0x7F, v14;
	v19 =	vand.u32 $0xFFFFFC00, v19;
	v20 =	vshll.u32 v15, $0x3;
	v9 =	vld.idx.msk [tilespmem:v9+s15+$0x0], $0xffff  }
0x113: {  	v13 =	vand.u32 $0x7F, v13;
	v20 =	vand.u32 $0xFFFFFC00, v20;
	v21 =	vshll.u32 v16, $0x3;
	v7 =	vld.idx.msk [tilespmem:v7+s15+$0x0], $0xffff  }
0x114: {  	v15 =	vand.u32 $0x7F, v15;
	v21 =	vand.u32 $0xFFFFFC00, v21;
	v22 =	vshll.u32 v17, $0x3;
	v6 =	vld.idx.msk [tilespmem:v6+s15+$0x0], $0xffff  }
0x115: {  	v23 =	vand.u32 $0x7F, v18;
	v18 =	vshll.u32 v18, $0x3;
	v22 =	vand.u32 $0xFFFFFC00, v22;
	v24 =	vld.idx.msk [tilespmem:v3+s15+$0x0], $0xffff  }
0x116: {  	v16 =	vand.u32 $0x7F, v16;
	v17 =	vand.u32 $0x7F, v17;
	v18 =	vand.u32 $0xFFFFFC00, v18;
	v5 =	vld.idx.msk [tilespmem:v5+s15+$0x0], $0xffff  }
0x117: {  	v25 =	vor.u32 v11, v10;
	v10 =	vor.u32 $0x80, v3;
	v23 =	vor.u32 v23, v18;
	v4 =	vld.idx.msk [tilespmem:v4+s15+$0x0], $0xffff;
	[tilespmem:s29+$0x150] =	vst v8  }
0x118: {  	v26 =	vor.u32 v14, v12;
	v27 =	vor.u32 v13, v19;
	v28 =	vor.u32 v15, v20;
	[tilespmem:s29+$0x160] =	vst v9  }
0x119: {  	v21 =	vor.u32 v16, v21;
	v22 =	vor.u32 v17, v22;
	v8 =	vor.u32 $0x80, v23;
	[tilespmem:s29+$0x180] =	vst v7;
	v2 =	vld.idx.msk [tilespmem:v2+s15+$0x0], $0xffff  }
0x11a: {  	v29 =	vor.u32 $0x80, v27;
	v9 =	vor.u32 $0x80, v26;
	v7 =	vor.u32 $0x80, v25;
	s29 =	sadd.s32 $0x400, s29;
	[tilespmem:s30+$0x190] =	vst v6;
	v1 =	vld.idx.msk [tilespmem:v1+s15+$0x0], $0xffff  }
0x11b: {  	v30 =	vor.u32 $0x80, v28;
	v31 =	vor.u32 $0x80, v21;
	v32 =	vor.u32 $0x80, v22;
	[tilespmem:s29+$0xFFFFFE70] =	vst v24;
	v0 =	vld.idx.msk [tilespmem:v0+s15+$0x0], $0xffff  }
0x11c: {  	v33 =	vor.u32 $0x100, v25;
	v34 =	vor.u32 $0x100, v26;
	v24 =	vor.u32 $0x100, v23;
	v6 =	vld.idx.msk [tilespmem:v10+s15+$0x0], $0xffff;
	[tilespmem:s30+$0x1A0] =	vst v5  }
0x11d: {  	v35 =	vor.u32 $0x100, v27;
	v36 =	vor.u32 $0x100, v28;
	v37 =	vor.u32 $0x100, v21;
	v5 =	vld.idx.msk [tilespmem:v23+s15+$0x0], $0xffff;
	[tilespmem:s30+$0x1B0] =	vst v4  }
0x11e: {  	v39 =	vor.u32 $0x100, v22;
	v38 =	vor.u32 $0x180, v23;
	v10 =	vor.u32 $0x100, v3;
	v4 =	vld.idx.msk [tilespmem:v25+s15+$0x0], $0xffff  }
0x11f: {  	v40 =	vor.u32 $0x180, v25;
	v41 =	vor.u32 $0x180, v26;
	v42 =	vor.u32 $0x180, v27;
	v11 =	vld.idx.msk [tilespmem:v26+s15+$0x0], $0xffff;
	[tilespmem:s30+$0x1C0] =	vst v2  }
0x120: {  	v43 =	vor.u32 $0x180, v28;
	v44 =	vor.u32 $0x180, v21;
	v45 =	vor.u32 $0x180, v22;
	v2 =	vld.idx.msk [tilespmem:v27+s15+$0x0], $0xffff;
	[tilespmem:s30+$0x1D0] =	vst v1  }
0x121: {  	v47 =	vor.u32 $0x200, v25;
	v48 =	vor.u32 $0x200, v26;
	v46 =	vor.u32 $0x200, v23;
	v1 =	vld.idx.msk [tilespmem:v28+s15+$0x0], $0xffff;
	[tilespmem:s30+$0x1E0] =	vst v0;
	s30 =	smov.u32 s29  }
0x122: {  	v49 =	vor.u32 $0x200, v27;
	v50 =	vor.u32 $0x200, v28;
	v51 =	vor.u32 $0x200, v21;
	v0 =	vld.idx.msk [tilespmem:v21+s15+$0x0], $0xffff;
	[tilespmem:s29+$0xFFFFFEF0] =	vst v6  }
0x123: {  	v18 =	vor.u32 $0x280, v25;
	v53 =	vor.u32 $0x200, v22;
	v52 =	vor.u32 $0x280, v23;
	[tilespmem:s29+$0xFFFFFE00] =	vst v5;
	v54 =	vld.idx.msk [tilespmem:v10+s15+$0x0], $0xffff  }
0x124: {  	v20 =	vor.u32 $0x280, v26;
	v19 =	vor.u32 $0x280, v27;
	v15 =	vor.u32 $0x280, v28;
	[tilespmem:s29+$0xFFFFFE10] =	vst v4;
	v55 =	vld.idx.msk [tilespmem:v22+s15+$0x0], $0xffff  }
0x125: {  	v57 =	vor.u32 $0x180, v3;
	v17 =	vor.u32 $0x280, v21;
	v16 =	vor.u32 $0x280, v22;
	v56 =	vld.idx.msk [tilespmem:v8+s15+$0x0], $0xffff;
	[tilespmem:s29+$0xFFFFFE20] =	vst v11  }
0x126: {  	v13 =	vor.u32 $0x300, v25;
	v14 =	vor.u32 $0x300, v23;
	v10 =	vor.u32 $0x300, v26;
	v58 =	vld.idx.msk [tilespmem:v7+s15+$0x0], $0xffff;
	[tilespmem:s29+$0xFFFFFE30] =	vst v2  }
0x127: {  	v12 =	vor.u32 $0x300, v27;
	v11 =	vor.u32 $0x300, v28;
	v8 =	vor.u32 $0x300, v21;
	v59 =	vld.idx.msk [tilespmem:v9+s15+$0x0], $0xffff;
	[tilespmem:s29+$0xFFFFFE40] =	vst v1  }
0x128: {  	v6 =	vor.u32 $0x380, v25;
	v7 =	vor.u32 $0x380, v23;
	v9 =	vor.u32 $0x300, v22;
	v23 =	vld.idx.msk [tilespmem:v29+s15+$0x0], $0xffff;
	[tilespmem:s29+$0xFFFFFE50] =	vst v0  }
0x129: {  	v5 =	vor.u32 $0x380, v26;
	v4 =	vor.u32 $0x380, v27;
	v2 =	vor.u32 $0x380, v28;
	v25 =	vld.idx.msk [tilespmem:v30+s15+$0x0], $0xffff;
	[tilespmem:s29+$0xFFFFFF70] =	vst v54  }
0x12a: {  	v1 =	vor.u32 $0x380, v21;
	v0 =	vor.u32 $0x380, v22;
	[tilespmem:s29+$0xFFFFFE60] =	vst v55;
	v21 =	vld.idx.msk [tilespmem:v57+s15+$0x0], $0xffff  }
0x12b: {  	[tilespmem:s29+$0xFFFFFE80] =	vst v56;
	v22 =	vld.idx.msk [tilespmem:v31+s15+$0x0], $0xffff  }
0x12c: {  	v27 =	vor.u32 $0x200, v3;
	[tilespmem:s29+$0xFFFFFE90] =	vst v58;
	v26 =	vld.idx.msk [tilespmem:v32+s15+$0x0], $0xffff  }
0x12d: {  	v24 =	vld.idx.msk [tilespmem:v24+s15+$0x0], $0xffff;
	[tilespmem:s29+$0xFFFFFEA0] =	vst v59  }
0x12e: {  	v28 =	vld.idx.msk [tilespmem:v33+s15+$0x0], $0xffff;
	[tilespmem:s29+$0xFFFFFEB0] =	vst v23  }
0x12f: {  	v23 =	vld.idx.msk [tilespmem:v34+s15+$0x0], $0xffff;
	[tilespmem:s29+$0xFFFFFEC0] =	vst v25  }
0x130: {  	v25 =	vld.idx.msk [tilespmem:v35+s15+$0x0], $0xffff;
	[tilespmem:s29+$0xFFFFFFF0] =	vst v21  }
0x131: {  	[tilespmem:s29+$0xFFFFFED0] =	vst v22;
	v21 =	vld.idx.msk [tilespmem:v27+s15+$0x0], $0xffff  }
0x132: {  	v22 =	vld.idx.msk [tilespmem:v36+s15+$0x0], $0xffff;
	[tilespmem:s29+$0xFFFFFEE0] =	vst v26  }
0x133: {  	v26 =	vor.u32 $0x280, v3;
	[tilespmem:s29+$0xFFFFFF00] =	vst v24;
	v24 =	vld.idx.msk [tilespmem:v37+s15+$0x0], $0xffff  }
0x134: {  	[tilespmem:s29+$0xFFFFFF10] =	vst v28;
	v27 =	vld.idx.msk [tilespmem:v39+s15+$0x0], $0xffff  }
0x135: {  	v28 =	vld.idx.msk [tilespmem:v38+s15+$0x0], $0xffff;
	[tilespmem:s29+$0xFFFFFF20] =	vst v23  }
0x136: {  	v23 =	vld.idx.msk [tilespmem:v40+s15+$0x0], $0xffff;
	[tilespmem:s29+$0xFFFFFF30] =	vst v25  }
0x137: {  	v25 =	vld.idx.msk [tilespmem:v41+s15+$0x0], $0xffff;
	[tilespmem:s29+$0x70] =	vst v21  }
0x138: {  	[tilespmem:s29+$0xFFFFFF40] =	vst v22;
	v21 =	vld.idx.msk [tilespmem:v26+s15+$0x0], $0xffff  }
0x139: {  	v22 =	vld.idx.msk [tilespmem:v42+s15+$0x0], $0xffff;
	[tilespmem:s29+$0xFFFFFF50] =	vst v24  }
0x13a: {  	v26 =	vor.u32 $0x300, v3;
	v24 =	vld.idx.msk [tilespmem:v43+s15+$0x0], $0xffff;
	[tilespmem:s29+$0xFFFFFF60] =	vst v27  }
0x13b: {  	[tilespmem:s29+$0xFFFFFF80] =	vst v28;
	v27 =	vld.idx.msk [tilespmem:v44+s15+$0x0], $0xffff  }
0x13c: {  	[tilespmem:s29+$0xFFFFFF90] =	vst v23;
	v23 =	vld.idx.msk [tilespmem:v45+s15+$0x0], $0xffff  }
0x13d: {  	v28 =	vld.idx.msk [tilespmem:v46+s15+$0x0], $0xffff;
	[tilespmem:s29+$0xFFFFFFA0] =	vst v25  }
0x13e: {  	v25 =	vld.idx.msk [tilespmem:v47+s15+$0x0], $0xffff;
	[tilespmem:s29+$0xF0] =	vst v21  }
0x13f: {  	[tilespmem:s29+$0xFFFFFFB0] =	vst v22;
	v21 =	vld.idx.msk [tilespmem:v26+s15+$0x0], $0xffff  }
0x140: {  	v22 =	vld.idx.msk [tilespmem:v48+s15+$0x0], $0xffff;
	[tilespmem:s29+$0xFFFFFFC0] =	vst v24  }
0x141: {  	v3 =	vor.u32 $0x380, v3;
	v24 =	vld.idx.msk [tilespmem:v49+s15+$0x0], $0xffff;
	[tilespmem:s29+$0xFFFFFFD0] =	vst v27  }
0x142: {  	v26 =	vld.idx.msk [tilespmem:v50+s15+$0x0], $0xffff;
	[tilespmem:s29+$0xFFFFFFE0] =	vst v23  }
0x143: {  	[tilespmem:s29+$0x0] =	vst v28;
	v23 =	vld.idx.msk [tilespmem:v51+s15+$0x0], $0xffff  }
0x144: {  	[tilespmem:s29+$0x10] =	vst v25;
	v25 =	vld.idx.msk [tilespmem:v53+s15+$0x0], $0xffff  }
0x145: {  	v27 =	vld.idx.msk [tilespmem:v52+s15+$0x0], $0xffff;
	[tilespmem:s29+$0x170] =	vst v21  }
0x146: {  	[tilespmem:s29+$0x20] =	vst v22;
	v3 =	vld.idx.msk [tilespmem:v3+s15+$0x0], $0xffff  }
0x147: {  	v18 =	vld.idx.msk [tilespmem:v18+s15+$0x0], $0xffff;
	[tilespmem:s29+$0x30] =	vst v24  }
0x148: {  	v20 =	vld.idx.msk [tilespmem:v20+s15+$0x0], $0xffff;
	[tilespmem:s29+$0x40] =	vst v26  }
0x149: {  	v19 =	vld.idx.msk [tilespmem:v19+s15+$0x0], $0xffff;
	[tilespmem:s29+$0x50] =	vst v23  }
0x14a: {  	v21 =	vld.idx.msk [tilespmem:v15+s15+$0x0], $0xffff;
	[tilespmem:s29+$0x60] =	vst v25  }
0x14b: {  	[tilespmem:s29+$0x80] =	vst v27;
	v17 =	vld.idx.msk [tilespmem:v17+s15+$0x0], $0xffff  }
0x14c: {  	v15 =	vld.idx.msk [tilespmem:v16+s15+$0x0], $0xffff;
	[tilespmem:s29+$0x1F0] =	vst v3  }
.Ltmp3:
0x14d: {  	v14 =	vld.idx.msk [tilespmem:v14+s15+$0x0], $0xffff;
	[tilespmem:s29+$0x90] =	vst v18;
	(pc) =	sbr.rel @p0 .LBB2_5-.Ltmp3, $4  }
0x14e: {  	v13 =	vld.idx.msk [tilespmem:v13+s15+$0x0], $0xffff;
	[tilespmem:s29+$0xA0] =	vst v20  }
0x14f: {  	v16 =	vld.idx.msk [tilespmem:v10+s15+$0x0], $0xffff;
	[tilespmem:s29+$0xB0] =	vst v19  }
0x150: {  	v3 =	vld.idx.msk [tilespmem:v12+s15+$0x0], $0xffff;
	[tilespmem:s29+$0xC0] =	vst v21  }
0x151: {  	s2 =	sadd.s32 $0x80, s2;
	v10 =	vld.idx.msk [tilespmem:v11+s15+$0x0], $0xffff;
	[tilespmem:s29+$0xD0] =	vst v17  }
0x152: {  	_ =	sdelay $0x2  }
0x153: {  	[tilespmem:s29+$0xE0] =	vst v15  }
0x154: {  	[tilespmem:s29+$0x100] =	vst v14;
	v8 =	vld.idx.msk [tilespmem:v8+s15+$0x0], $0xffff  }
0x155: {  	[tilespmem:s29+$0x110] =	vst v13;
	v9 =	vld.idx.msk [tilespmem:v9+s15+$0x0], $0xffff  }
0x156: {  	v7 =	vld.idx.msk [tilespmem:v7+s15+$0x0], $0xffff;
	[tilespmem:s29+$0x120] =	vst v16  }
0x157: {  	[tilespmem:s29+$0x130] =	vst v3;
	v3 =	vld.idx.msk [tilespmem:v6+s15+$0x0], $0xffff  }
0x158: {  	v5 =	vld.idx.msk [tilespmem:v5+s15+$0x0], $0xffff;
	[tilespmem:s29+$0x140] =	vst v10  }
0x159: {  	v4 =	vld.idx.msk [tilespmem:v4+s15+$0x0], $0xffff;
	[tilespmem:s29+$0x150] =	vst v8  }
0x15a: {  	v2 =	vld.idx.msk [tilespmem:v2+s15+$0x0], $0xffff;
	[tilespmem:s29+$0x160] =	vst v9  }
0x15b: {  	[tilespmem:s29+$0x180] =	vst v7;
	v1 =	vld.idx.msk [tilespmem:v1+s15+$0x0], $0xffff  }
0x15c: {  	v0 =	vld.idx.msk [tilespmem:v0+s15+$0x0], $0xffff;
	[tilespmem:s30+$0x190] =	vst v3  }
0x15d: {  	[tilespmem:s30+$0x1A0] =	vst v5  }
0x15e: {  	[tilespmem:s30+$0x1B0] =	vst v4  }
0x15f: {  	[tilespmem:s30+$0x1C0] =	vst v2  }
0x160: {  	[tilespmem:s30+$0x1D0] =	vst v1  }
0x161: {  	s2 =	sadd.s32 s28, s9;
	p0 =	seq.s32 s24, $0x1F;
	[tilespmem:s30+$0x1E0] =	vst v0  }
0x162: {  	[hbm4b:s2+s5] =	stream.linear.scatter [tilespmem:s19], [sflag:$0x4], $0x4000, $0x38;
	[tilespmem:$0x19000] =	vst v63  }
0x163: {  	s2 =	sadd.s32 @!p0 s25, s10  }
0x164: {  	s2 =	sshll.u32 @!p0 s2, $0xC  }
0x165: {  	s2 =	sand.u32 @!p0 $0x1FFFE000, s2  }
0x166: {  	s28 =	simm.s32 @!p0 $0x0;
	s29 =	simm.s32 @!p0 $0x1000;
	s2 =	sadd.s32 @!p0 s1, s2  }
0x167: {  	[tilespmem:s29], [sflag:$0x1] =	stream.linear.gather @!p0 [hbm4b:s2+s28], $0x8000, $0x38;
	[tilespmem:$0x19000] =	vst v63  }
0x168: {  	_ =	swait.ge [sflag:s20], $0x8000  }
0x169: {  	[sflag:s20] =	ssyncset.done $0x0  }
0x16a: {  	[sflag:s20] =	ssyncadd.s32 $0xFFFF8000  }
0x16b: {  	_ =	swait.ge [sflag:s21], $0x4000  }
0x16c: {  	[sflag:s21] =	ssyncset.done $0x0  }
0x16d: {  	s31 =	simm.s32 $0x40;
	[sflag:s21] =	ssyncadd.s32 $0xFFFFC000  }
0x16e: {  	v0 =	vld [tilespmem:s31+$0x30];
	_ =	sdelay $0x3  }
0x16f: {  	v1 =	vld [tilespmem:s31+$0xFFFFFFD0]  }
0x170: {  	v2 =	vshll.u32 v0, $0x3  }
0x171: {  	v3 =	vld [tilespmem:s31+$0xFFFFFFE0];
	v0 =	vand.u32 $0x7F, v0;
	v2 =	vand.u32 $0xFFFFFC00, v2  }
0x172: {  	v5 =	vld [tilespmem:s31+$0xFFFFFFC0];
	v4 =	vor.u32 v0, v2;
	_ =	sdelay $0x1  }
0x173: {  	v2 =	vld [tilespmem:s31+$0xFFFFFFF0];
	v0 =	vshll.u32 v1, $0x3  }
0x174: {  	v7 =	vld [tilespmem:s31+$0x10];
	v1 =	vand.u32 $0x7F, v1;
	v8 =	vand.u32 $0xFFFFFC00, v0  }
0x175: {  	v6 =	vld [tilespmem:s31+$0x0];
	v0 =	vshll.u32 v3, $0x3;
	v1 =	vor.u32 v1, v8  }
0x176: {  	v11 =	vor.u32 $0x80, v4;
	v9 =	vand.u32 $0xFFFFFC00, v0;
	v0 =	vshll.u32 v5, $0x3;
	v10 =	vld.idx.msk [tilespmem:v4+s16+$0x0], $0xffff  }
0x177: {  	v12 =	vld [tilespmem:s31+$0x20];
	v3 =	vand.u32 $0x7F, v3;
	v5 =	vand.u32 $0x7F, v5;
	v0 =	vand.u32 $0xFFFFFC00, v0  }
0x178: {  	v0 =	vor.u32 v5, v0;
	v13 =	vshll.u32 v2, $0x3;
	v8 =	vand.u32 $0x7F, v2  }
0x179: {  	v2 =	vor.u32 v3, v9;
	v9 =	vshll.u32 v7, $0x3;
	v5 =	vand.u32 $0xFFFFFC00, v13  }
0x17a: {  	s28 =	simm.s32 $0x11200;
	v13 =	vshll.u32 v6, $0x3;
	v3 =	vor.u32 v8, v5;
	v5 =	vand.u32 $0xFFFFFC00, v9;
	v9 =	vld.idx.msk [tilespmem:v1+s16+$0x0], $0xffff  }
0x17b: {  	v15 =	vor.u32 $0x80, v1;
	v6 =	vand.u32 $0x7F, v6;
	v13 =	vand.u32 $0xFFFFFC00, v13;
	[tilespmem:s28+$0xFFFFFE70] =	vst v10  }
0x17c: {  	v7 =	vand.u32 $0x7F, v7;
	v8 =	vshll.u32 v12, $0x3;
	v10 =	vor.u32 v6, v13;
	v6 =	vld.idx.msk [tilespmem:v11+s16+$0x0], $0xffff  }
0x17d: {  	v11 =	vor.u32 v7, v5;
	v5 =	vld.idx.msk [tilespmem:v0+s16+$0x0], $0xffff;
	v7 =	vand.u32 $0xFFFFFC00, v8;
	v8 =	vand.u32 $0x7F, v12  }
0x17e: {  	v13 =	vor.u32 $0x100, v4;
	v12 =	vor.u32 v8, v7;
	v7 =	vld.idx.msk [tilespmem:v2+s16+$0x0], $0xffff  }
0x17f: {  	v8 =	vor.u32 $0x80, v0;
	v14 =	vld.idx.msk [tilespmem:v3+s16+$0x0], $0xffff;
	[tilespmem:s28+$0xFFFFFE10] =	vst v9  }
0x180: {  	v15 =	vld.idx.msk [tilespmem:v15+s16+$0x0], $0xffff  }
0x181: {  	v17 =	vor.u32 $0x80, v2;
	v16 =	vld.idx.msk [tilespmem:v10+s16+$0x0], $0xffff  }
0x182: {  	v18 =	vld.idx.msk [tilespmem:v11+s16+$0x0], $0xffff;
	[tilespmem:s28+$0xFFFFFEF0] =	vst v6;
	v6 =	vor.u32 $0x80, v3  }
0x183: {  	[tilespmem:s28+$0xFFFFFE00] =	vst v5;
	v5 =	vld.idx.msk [tilespmem:v13+s16+$0x0], $0xffff;
	v13 =	vor.u32 $0x80, v10  }
0x184: {  	v19 =	vor.u32 $0x80, v11;
	v8 =	vld.idx.msk [tilespmem:v8+s16+$0x0], $0xffff;
	[tilespmem:s28+$0xFFFFFE20] =	vst v7  }
0x185: {  	v9 =	vld.idx.msk [tilespmem:v12+s16+$0x0], $0xffff;
	v7 =	vor.u32 $0x180, v4;
	[tilespmem:s28+$0xFFFFFE30] =	vst v14  }
0x186: {  	v14 =	vor.u32 $0x80, v12;
	v17 =	vld.idx.msk [tilespmem:v17+s16+$0x0], $0xffff;
	[tilespmem:s28+$0xFFFFFE40] =	vst v16  }
0x187: {  	v16 =	vor.u32 $0x100, v0;
	v6 =	vld.idx.msk [tilespmem:v6+s16+$0x0], $0xffff;
	[tilespmem:s28+$0xFFFFFE50] =	vst v18  }
0x188: {  	v18 =	vor.u32 $0x100, v1;
	v13 =	vld.idx.msk [tilespmem:v13+s16+$0x0], $0xffff;
	[tilespmem:s28+$0xFFFFFF70] =	vst v5  }
0x189: {  	v5 =	vor.u32 $0x100, v2;
	[tilespmem:s28+$0xFFFFFE80] =	vst v8;
	v8 =	vld.idx.msk [tilespmem:v19+s16+$0x0], $0xffff  }
0x18a: {  	[tilespmem:s28+$0xFFFFFE60] =	vst v9;
	v9 =	vor.u32 $0x100, v3;
	v7 =	vld.idx.msk [tilespmem:v7+s16+$0x0], $0xffff  }
0x18b: {  	[tilespmem:s28+$0xFFFFFE90] =	vst v15;
	v19 =	vor.u32 $0x100, v10;
	v14 =	vld.idx.msk [tilespmem:v14+s16+$0x0], $0xffff  }
0x18c: {  	[tilespmem:s28+$0xFFFFFEA0] =	vst v17;
	v17 =	vor.u32 $0x100, v11;
	v16 =	vld.idx.msk [tilespmem:v16+s16+$0x0], $0xffff  }
0x18d: {  	v15 =	vor.u32 $0x200, v4;
	v18 =	vld.idx.msk [tilespmem:v18+s16+$0x0], $0xffff;
	[tilespmem:s28+$0xFFFFFEB0] =	vst v6  }
0x18e: {  	v6 =	vor.u32 $0x100, v12;
	v5 =	vld.idx.msk [tilespmem:v5+s16+$0x0], $0xffff;
	[tilespmem:s28+$0xFFFFFEC0] =	vst v13  }
0x18f: {  	v13 =	vor.u32 $0x180, v0;
	v9 =	vld.idx.msk [tilespmem:v9+s16+$0x0], $0xffff;
	[tilespmem:s28+$0xFFFFFED0] =	vst v8  }
0x190: {  	[tilespmem:s28+$0xFFFFFFF0] =	vst v7;
	v7 =	vor.u32 $0x180, v1;
	v19 =	vld.idx.msk [tilespmem:v19+s16+$0x0], $0xffff  }
0x191: {  	[tilespmem:s28+$0xFFFFFEE0] =	vst v14;
	v14 =	vld.idx.msk [tilespmem:v17+s16+$0x0], $0xffff;
	v17 =	vor.u32 $0x180, v3  }
0x192: {  	v8 =	vld.idx.msk [tilespmem:v15+s16+$0x0], $0xffff;
	v15 =	vor.u32 $0x180, v2;
	[tilespmem:s28+$0xFFFFFF00] =	vst v16  }
0x193: {  	v16 =	vor.u32 $0x280, v4;
	[tilespmem:s28+$0xFFFFFF10] =	vst v18;
	v6 =	vld.idx.msk [tilespmem:v6+s16+$0x0], $0xffff  }
0x194: {  	v18 =	vor.u32 $0x180, v10;
	v13 =	vld.idx.msk [tilespmem:v13+s16+$0x0], $0xffff;
	[tilespmem:s28+$0xFFFFFF20] =	vst v5  }
0x195: {  	v5 =	vor.u32 $0x180, v11;
	[tilespmem:s28+$0xFFFFFF30] =	vst v9;
	v7 =	vld.idx.msk [tilespmem:v7+s16+$0x0], $0xffff  }
0x196: {  	v9 =	vor.u32 $0x180, v12;
	[tilespmem:s28+$0xFFFFFF40] =	vst v19;
	v17 =	vld.idx.msk [tilespmem:v17+s16+$0x0], $0xffff  }
0x197: {  	v15 =	vld.idx.msk [tilespmem:v15+s16+$0x0], $0xffff;
	[tilespmem:s28+$0x70] =	vst v8;
	v8 =	vor.u32 $0x200, v0  }
0x198: {  	v19 =	vor.u32 $0x200, v1;
	[tilespmem:s28+$0xFFFFFF50] =	vst v14;
	v16 =	vld.idx.msk [tilespmem:v16+s16+$0x0], $0xffff  }
0x199: {  	v14 =	vld.idx.msk [tilespmem:v18+s16+$0x0], $0xffff;
	[tilespmem:s28+$0xFFFFFF60] =	vst v6;
	v6 =	vor.u32 $0x300, v4  }
0x19a: {  	v18 =	vor.u32 $0x200, v2;
	[tilespmem:s28+$0xFFFFFF80] =	vst v13;
	v5 =	vld.idx.msk [tilespmem:v5+s16+$0x0], $0xffff  }
0x19b: {  	v13 =	vor.u32 $0x200, v3;
	[tilespmem:s28+$0xFFFFFF90] =	vst v7;
	v7 =	vld.idx.msk [tilespmem:v9+s16+$0x0], $0xffff  }
0x19c: {  	v9 =	vor.u32 $0x200, v10;
	v8 =	vld.idx.msk [tilespmem:v8+s16+$0x0], $0xffff;
	[tilespmem:s28+$0xFFFFFFA0] =	vst v15  }
0x19d: {  	v15 =	vor.u32 $0x200, v11;
	v19 =	vld.idx.msk [tilespmem:v19+s16+$0x0], $0xffff;
	[tilespmem:s28+$0xF0] =	vst v16  }
0x19e: {  	[tilespmem:s28+$0xFFFFFFB0] =	vst v17;
	v16 =	vor.u32 $0x200, v12;
	v6 =	vld.idx.msk [tilespmem:v6+s16+$0x0], $0xffff  }
0x19f: {  	v17 =	vor.u32 $0x280, v0;
	v18 =	vld.idx.msk [tilespmem:v18+s16+$0x0], $0xffff;
	[tilespmem:s28+$0xFFFFFFC0] =	vst v14  }
0x1a0: {  	v4 =	vor.u32 $0x380, v4;
	v13 =	vld.idx.msk [tilespmem:v13+s16+$0x0], $0xffff;
	[tilespmem:s28+$0xFFFFFFD0] =	vst v5  }
0x1a1: {  	v5 =	vor.u32 $0x280, v1;
	v9 =	vld.idx.msk [tilespmem:v9+s16+$0x0], $0xffff;
	[tilespmem:s28+$0xFFFFFFE0] =	vst v7  }
0x1a2: {  	v7 =	vor.u32 $0x280, v2;
	[tilespmem:s28+$0x0] =	vst v8;
	v8 =	vld.idx.msk [tilespmem:v15+s16+$0x0], $0xffff  }
0x1a3: {  	v14 =	vor.u32 $0x280, v3;
	[tilespmem:s28+$0x10] =	vst v19;
	v15 =	vld.idx.msk [tilespmem:v16+s16+$0x0], $0xffff  }
0x1a4: {  	v16 =	vor.u32 $0x280, v10;
	v17 =	vld.idx.msk [tilespmem:v17+s16+$0x0], $0xffff;
	[tilespmem:s28+$0x170] =	vst v6  }
0x1a5: {  	v6 =	vor.u32 $0x280, v11;
	[tilespmem:s28+$0x20] =	vst v18;
	v4 =	vld.idx.msk [tilespmem:v4+s16+$0x0], $0xffff  }
0x1a6: {  	v18 =	vor.u32 $0x280, v12;
	v5 =	vld.idx.msk [tilespmem:v5+s16+$0x0], $0xffff;
	[tilespmem:s28+$0x30] =	vst v13  }
0x1a7: {  	v13 =	vor.u32 $0x300, v0;
	v7 =	vld.idx.msk [tilespmem:v7+s16+$0x0], $0xffff;
	[tilespmem:s28+$0x40] =	vst v9  }
0x1a8: {  	v9 =	vor.u32 $0x300, v1;
	v19 =	vld.idx.msk [tilespmem:v14+s16+$0x0], $0xffff;
	[tilespmem:s28+$0x50] =	vst v8  }
0x1a9: {  	v20 =	vor.u32 $0x300, v2;
	v21 =	vld.idx.msk [tilespmem:v16+s16+$0x0], $0xffff;
	[tilespmem:s28+$0x60] =	vst v15  }
0x1aa: {  	v22 =	vor.u32 $0x300, v3;
	[tilespmem:s28+$0x80] =	vst v17;
	v17 =	vld.idx.msk [tilespmem:v6+s16+$0x0], $0xffff  }
0x1ab: {  	v23 =	vor.u32 $0x300, v10;
	v15 =	vld.idx.msk [tilespmem:v18+s16+$0x0], $0xffff;
	[tilespmem:s28+$0x1F0] =	vst v4  }
0x1ac: {  	v14 =	vld.idx.msk [tilespmem:v13+s16+$0x0], $0xffff;
	[tilespmem:s28+$0x90] =	vst v5  }
0x1ad: {  	v13 =	vld.idx.msk [tilespmem:v9+s16+$0x0], $0xffff;
	[tilespmem:s28+$0xA0] =	vst v7  }
0x1ae: {  	v8 =	vor.u32 $0x300, v11;
	v6 =	vor.u32 $0x380, v1;
	v1 =	vor.u32 $0x380, v11;
	[tilespmem:s28+$0xB0] =	vst v19;
	v16 =	vld.idx.msk [tilespmem:v20+s16+$0x0], $0xffff  }
0x1af: {  	v5 =	vor.u32 $0x380, v2;
	v4 =	vor.u32 $0x380, v3;
	v2 =	vor.u32 $0x380, v10;
	v3 =	vld.idx.msk [tilespmem:v22+s16+$0x0], $0xffff;
	[tilespmem:s28+$0xC0] =	vst v21  }
0x1b0: {  	s30 =	simm.s32 $0x0;
	s2 =	simm.s32 $0xC0;
	s29 =	simm.s32 $0x11200;
	v7 =	vor.u32 $0x380, v0;
	v9 =	vor.u32 $0x300, v12;
	v0 =	vor.u32 $0x380, v12;
	v10 =	vld.idx.msk [tilespmem:v23+s16+$0x0], $0xffff;
	[tilespmem:s28+$0xD0] =	vst v17  }
.LBB2_7:
0x1b1: {  	v11 =	vld [tilespmem:s2+$0x30];
	s30 =	sadd.s32 $0x8, s30;
	[tilespmem:s28+$0xE0] =	vst v15  }
0x1b2: {  	v12 =	vld [tilespmem:s2+$0xFFFFFFD0];
	p1 =	slt.u32 s30, $0x78;
	[tilespmem:s28+$0x100] =	vst v14  }
0x1b3: {  	v14 =	vld [tilespmem:s2+$0xFFFFFFE0];
	[tilespmem:s28+$0x110] =	vst v13  }
0x1b4: {  	v13 =	vld [tilespmem:s2+$0xFFFFFFF0];
	[tilespmem:s28+$0x120] =	vst v16  }
0x1b5: {  	v15 =	vld [tilespmem:s2+$0x0];
	[tilespmem:s28+$0x130] =	vst v3  }
0x1b6: {  	v16 =	vld [tilespmem:s2+$0x10];
	v3 =	vshll.u32 v11, $0x3;
	[tilespmem:s28+$0x140] =	vst v10  }
0x1b7: {  	v11 =	vand.u32 $0x7F, v11;
	v10 =	vshll.u32 v12, $0x3;
	v17 =	vld [tilespmem:s2+$0x20];
	v3 =	vand.u32 $0xFFFFFC00, v3  }
0x1b8: {  	v18 =	vld [tilespmem:s2+$0xFFFFFFC0];
	v10 =	vand.u32 $0xFFFFFC00, v10;
	v19 =	vshll.u32 v14, $0x3;
	v3 =	vor.u32 v11, v3  }
0x1b9: {  	v11 =	vand.u32 $0x7F, v12;
	v12 =	vand.u32 $0xFFFFFC00, v19;
	v19 =	vshll.u32 v13, $0x3;
	v8 =	vld.idx.msk [tilespmem:v8+s16+$0x0], $0xffff  }
0x1ba: {  	v14 =	vand.u32 $0x7F, v14;
	v19 =	vand.u32 $0xFFFFFC00, v19;
	v20 =	vshll.u32 v15, $0x3;
	v9 =	vld.idx.msk [tilespmem:v9+s16+$0x0], $0xffff  }
0x1bb: {  	v13 =	vand.u32 $0x7F, v13;
	v20 =	vand.u32 $0xFFFFFC00, v20;
	v21 =	vshll.u32 v16, $0x3;
	v7 =	vld.idx.msk [tilespmem:v7+s16+$0x0], $0xffff  }
0x1bc: {  	v15 =	vand.u32 $0x7F, v15;
	v21 =	vand.u32 $0xFFFFFC00, v21;
	v22 =	vshll.u32 v17, $0x3;
	v6 =	vld.idx.msk [tilespmem:v6+s16+$0x0], $0xffff  }
0x1bd: {  	v23 =	vand.u32 $0x7F, v18;
	v18 =	vshll.u32 v18, $0x3;
	v22 =	vand.u32 $0xFFFFFC00, v22;
	v24 =	vld.idx.msk [tilespmem:v3+s16+$0x0], $0xffff  }
0x1be: {  	v16 =	vand.u32 $0x7F, v16;
	v17 =	vand.u32 $0x7F, v17;
	v18 =	vand.u32 $0xFFFFFC00, v18;
	v5 =	vld.idx.msk [tilespmem:v5+s16+$0x0], $0xffff  }
0x1bf: {  	v25 =	vor.u32 v11, v10;
	v10 =	vor.u32 $0x80, v3;
	v23 =	vor.u32 v23, v18;
	v4 =	vld.idx.msk [tilespmem:v4+s16+$0x0], $0xffff;
	[tilespmem:s28+$0x150] =	vst v8  }
0x1c0: {  	v26 =	vor.u32 v14, v12;
	v27 =	vor.u32 v13, v19;
	v28 =	vor.u32 v15, v20;
	[tilespmem:s28+$0x160] =	vst v9  }
0x1c1: {  	v21 =	vor.u32 v16, v21;
	v22 =	vor.u32 v17, v22;
	v8 =	vor.u32 $0x80, v23;
	[tilespmem:s28+$0x180] =	vst v7;
	v2 =	vld.idx.msk [tilespmem:v2+s16+$0x0], $0xffff  }
0x1c2: {  	v29 =	vor.u32 $0x80, v27;
	v9 =	vor.u32 $0x80, v26;
	v7 =	vor.u32 $0x80, v25;
	s28 =	sadd.s32 $0x400, s28;
	[tilespmem:s29+$0x190] =	vst v6;
	v1 =	vld.idx.msk [tilespmem:v1+s16+$0x0], $0xffff  }
0x1c3: {  	v30 =	vor.u32 $0x80, v28;
	v31 =	vor.u32 $0x80, v21;
	v32 =	vor.u32 $0x80, v22;
	[tilespmem:s28+$0xFFFFFE70] =	vst v24;
	v0 =	vld.idx.msk [tilespmem:v0+s16+$0x0], $0xffff  }
0x1c4: {  	v33 =	vor.u32 $0x100, v25;
	v34 =	vor.u32 $0x100, v26;
	v24 =	vor.u32 $0x100, v23;
	v6 =	vld.idx.msk [tilespmem:v10+s16+$0x0], $0xffff;
	[tilespmem:s29+$0x1A0] =	vst v5  }
0x1c5: {  	v35 =	vor.u32 $0x100, v27;
	v36 =	vor.u32 $0x100, v28;
	v37 =	vor.u32 $0x100, v21;
	v5 =	vld.idx.msk [tilespmem:v23+s16+$0x0], $0xffff;
	[tilespmem:s29+$0x1B0] =	vst v4  }
0x1c6: {  	v39 =	vor.u32 $0x100, v22;
	v38 =	vor.u32 $0x180, v23;
	v10 =	vor.u32 $0x100, v3;
	v4 =	vld.idx.msk [tilespmem:v25+s16+$0x0], $0xffff  }
0x1c7: {  	v40 =	vor.u32 $0x180, v25;
	v41 =	vor.u32 $0x180, v26;
	v42 =	vor.u32 $0x180, v27;
	v11 =	vld.idx.msk [tilespmem:v26+s16+$0x0], $0xffff;
	[tilespmem:s29+$0x1C0] =	vst v2  }
0x1c8: {  	v43 =	vor.u32 $0x180, v28;
	v44 =	vor.u32 $0x180, v21;
	v45 =	vor.u32 $0x180, v22;
	v2 =	vld.idx.msk [tilespmem:v27+s16+$0x0], $0xffff;
	[tilespmem:s29+$0x1D0] =	vst v1  }
0x1c9: {  	v47 =	vor.u32 $0x200, v25;
	v48 =	vor.u32 $0x200, v26;
	v46 =	vor.u32 $0x200, v23;
	v1 =	vld.idx.msk [tilespmem:v28+s16+$0x0], $0xffff;
	[tilespmem:s29+$0x1E0] =	vst v0;
	s29 =	smov.u32 s28  }
0x1ca: {  	v49 =	vor.u32 $0x200, v27;
	v50 =	vor.u32 $0x200, v28;
	v51 =	vor.u32 $0x200, v21;
	v0 =	vld.idx.msk [tilespmem:v21+s16+$0x0], $0xffff;
	[tilespmem:s28+$0xFFFFFEF0] =	vst v6  }
0x1cb: {  	v18 =	vor.u32 $0x280, v25;
	v53 =	vor.u32 $0x200, v22;
	v52 =	vor.u32 $0x280, v23;
	[tilespmem:s28+$0xFFFFFE00] =	vst v5;
	v54 =	vld.idx.msk [tilespmem:v10+s16+$0x0], $0xffff  }
0x1cc: {  	v20 =	vor.u32 $0x280, v26;
	v19 =	vor.u32 $0x280, v27;
	v15 =	vor.u32 $0x280, v28;
	[tilespmem:s28+$0xFFFFFE10] =	vst v4;
	v55 =	vld.idx.msk [tilespmem:v22+s16+$0x0], $0xffff  }
0x1cd: {  	v57 =	vor.u32 $0x180, v3;
	v17 =	vor.u32 $0x280, v21;
	v16 =	vor.u32 $0x280, v22;
	v56 =	vld.idx.msk [tilespmem:v8+s16+$0x0], $0xffff;
	[tilespmem:s28+$0xFFFFFE20] =	vst v11  }
0x1ce: {  	v13 =	vor.u32 $0x300, v25;
	v14 =	vor.u32 $0x300, v23;
	v10 =	vor.u32 $0x300, v26;
	v58 =	vld.idx.msk [tilespmem:v7+s16+$0x0], $0xffff;
	[tilespmem:s28+$0xFFFFFE30] =	vst v2  }
0x1cf: {  	v12 =	vor.u32 $0x300, v27;
	v11 =	vor.u32 $0x300, v28;
	v8 =	vor.u32 $0x300, v21;
	v59 =	vld.idx.msk [tilespmem:v9+s16+$0x0], $0xffff;
	[tilespmem:s28+$0xFFFFFE40] =	vst v1  }
0x1d0: {  	v6 =	vor.u32 $0x380, v25;
	v7 =	vor.u32 $0x380, v23;
	v9 =	vor.u32 $0x300, v22;
	v23 =	vld.idx.msk [tilespmem:v29+s16+$0x0], $0xffff;
	[tilespmem:s28+$0xFFFFFE50] =	vst v0  }
0x1d1: {  	v5 =	vor.u32 $0x380, v26;
	v4 =	vor.u32 $0x380, v27;
	v2 =	vor.u32 $0x380, v28;
	v25 =	vld.idx.msk [tilespmem:v30+s16+$0x0], $0xffff;
	[tilespmem:s28+$0xFFFFFF70] =	vst v54  }
0x1d2: {  	v1 =	vor.u32 $0x380, v21;
	v0 =	vor.u32 $0x380, v22;
	[tilespmem:s28+$0xFFFFFE60] =	vst v55;
	v21 =	vld.idx.msk [tilespmem:v57+s16+$0x0], $0xffff  }
0x1d3: {  	[tilespmem:s28+$0xFFFFFE80] =	vst v56;
	v22 =	vld.idx.msk [tilespmem:v31+s16+$0x0], $0xffff  }
0x1d4: {  	v27 =	vor.u32 $0x200, v3;
	[tilespmem:s28+$0xFFFFFE90] =	vst v58;
	v26 =	vld.idx.msk [tilespmem:v32+s16+$0x0], $0xffff  }
0x1d5: {  	v24 =	vld.idx.msk [tilespmem:v24+s16+$0x0], $0xffff;
	[tilespmem:s28+$0xFFFFFEA0] =	vst v59  }
0x1d6: {  	v28 =	vld.idx.msk [tilespmem:v33+s16+$0x0], $0xffff;
	[tilespmem:s28+$0xFFFFFEB0] =	vst v23  }
0x1d7: {  	v23 =	vld.idx.msk [tilespmem:v34+s16+$0x0], $0xffff;
	[tilespmem:s28+$0xFFFFFEC0] =	vst v25  }
0x1d8: {  	v25 =	vld.idx.msk [tilespmem:v35+s16+$0x0], $0xffff;
	[tilespmem:s28+$0xFFFFFFF0] =	vst v21  }
0x1d9: {  	[tilespmem:s28+$0xFFFFFED0] =	vst v22;
	v21 =	vld.idx.msk [tilespmem:v27+s16+$0x0], $0xffff  }
0x1da: {  	v22 =	vld.idx.msk [tilespmem:v36+s16+$0x0], $0xffff;
	[tilespmem:s28+$0xFFFFFEE0] =	vst v26  }
0x1db: {  	v26 =	vor.u32 $0x280, v3;
	[tilespmem:s28+$0xFFFFFF00] =	vst v24;
	v24 =	vld.idx.msk [tilespmem:v37+s16+$0x0], $0xffff  }
0x1dc: {  	[tilespmem:s28+$0xFFFFFF10] =	vst v28;
	v27 =	vld.idx.msk [tilespmem:v39+s16+$0x0], $0xffff  }
0x1dd: {  	v28 =	vld.idx.msk [tilespmem:v38+s16+$0x0], $0xffff;
	[tilespmem:s28+$0xFFFFFF20] =	vst v23  }
0x1de: {  	v23 =	vld.idx.msk [tilespmem:v40+s16+$0x0], $0xffff;
	[tilespmem:s28+$0xFFFFFF30] =	vst v25  }
0x1df: {  	v25 =	vld.idx.msk [tilespmem:v41+s16+$0x0], $0xffff;
	[tilespmem:s28+$0x70] =	vst v21  }
0x1e0: {  	[tilespmem:s28+$0xFFFFFF40] =	vst v22;
	v21 =	vld.idx.msk [tilespmem:v26+s16+$0x0], $0xffff  }
0x1e1: {  	v22 =	vld.idx.msk [tilespmem:v42+s16+$0x0], $0xffff;
	[tilespmem:s28+$0xFFFFFF50] =	vst v24  }
0x1e2: {  	v26 =	vor.u32 $0x300, v3;
	v24 =	vld.idx.msk [tilespmem:v43+s16+$0x0], $0xffff;
	[tilespmem:s28+$0xFFFFFF60] =	vst v27  }
0x1e3: {  	[tilespmem:s28+$0xFFFFFF80] =	vst v28;
	v27 =	vld.idx.msk [tilespmem:v44+s16+$0x0], $0xffff  }
0x1e4: {  	[tilespmem:s28+$0xFFFFFF90] =	vst v23;
	v23 =	vld.idx.msk [tilespmem:v45+s16+$0x0], $0xffff  }
0x1e5: {  	v28 =	vld.idx.msk [tilespmem:v46+s16+$0x0], $0xffff;
	[tilespmem:s28+$0xFFFFFFA0] =	vst v25  }
0x1e6: {  	v25 =	vld.idx.msk [tilespmem:v47+s16+$0x0], $0xffff;
	[tilespmem:s28+$0xF0] =	vst v21  }
0x1e7: {  	[tilespmem:s28+$0xFFFFFFB0] =	vst v22;
	v21 =	vld.idx.msk [tilespmem:v26+s16+$0x0], $0xffff  }
0x1e8: {  	v22 =	vld.idx.msk [tilespmem:v48+s16+$0x0], $0xffff;
	[tilespmem:s28+$0xFFFFFFC0] =	vst v24  }
0x1e9: {  	v3 =	vor.u32 $0x380, v3;
	v24 =	vld.idx.msk [tilespmem:v49+s16+$0x0], $0xffff;
	[tilespmem:s28+$0xFFFFFFD0] =	vst v27  }
0x1ea: {  	v26 =	vld.idx.msk [tilespmem:v50+s16+$0x0], $0xffff;
	[tilespmem:s28+$0xFFFFFFE0] =	vst v23  }
0x1eb: {  	[tilespmem:s28+$0x0] =	vst v28;
	v23 =	vld.idx.msk [tilespmem:v51+s16+$0x0], $0xffff  }
0x1ec: {  	[tilespmem:s28+$0x10] =	vst v25;
	v25 =	vld.idx.msk [tilespmem:v53+s16+$0x0], $0xffff  }
0x1ed: {  	v27 =	vld.idx.msk [tilespmem:v52+s16+$0x0], $0xffff;
	[tilespmem:s28+$0x170] =	vst v21  }
0x1ee: {  	[tilespmem:s28+$0x20] =	vst v22;
	v3 =	vld.idx.msk [tilespmem:v3+s16+$0x0], $0xffff  }
0x1ef: {  	v18 =	vld.idx.msk [tilespmem:v18+s16+$0x0], $0xffff;
	[tilespmem:s28+$0x30] =	vst v24  }
0x1f0: {  	v20 =	vld.idx.msk [tilespmem:v20+s16+$0x0], $0xffff;
	[tilespmem:s28+$0x40] =	vst v26  }
0x1f1: {  	v19 =	vld.idx.msk [tilespmem:v19+s16+$0x0], $0xffff;
	[tilespmem:s28+$0x50] =	vst v23  }
0x1f2: {  	v21 =	vld.idx.msk [tilespmem:v15+s16+$0x0], $0xffff;
	[tilespmem:s28+$0x60] =	vst v25  }
0x1f3: {  	[tilespmem:s28+$0x80] =	vst v27;
	v17 =	vld.idx.msk [tilespmem:v17+s16+$0x0], $0xffff  }
0x1f4: {  	v15 =	vld.idx.msk [tilespmem:v16+s16+$0x0], $0xffff;
	[tilespmem:s28+$0x1F0] =	vst v3  }
.Ltmp4:
0x1f5: {  	v14 =	vld.idx.msk [tilespmem:v14+s16+$0x0], $0xffff;
	[tilespmem:s28+$0x90] =	vst v18;
	(pc) =	sbr.rel @p1 .LBB2_7-.Ltmp4, $4  }
0x1f6: {  	v13 =	vld.idx.msk [tilespmem:v13+s16+$0x0], $0xffff;
	[tilespmem:s28+$0xA0] =	vst v20  }
0x1f7: {  	v16 =	vld.idx.msk [tilespmem:v10+s16+$0x0], $0xffff;
	[tilespmem:s28+$0xB0] =	vst v19  }
0x1f8: {  	v3 =	vld.idx.msk [tilespmem:v12+s16+$0x0], $0xffff;
	[tilespmem:s28+$0xC0] =	vst v21  }
0x1f9: {  	s2 =	sadd.s32 $0x80, s2;
	v10 =	vld.idx.msk [tilespmem:v11+s16+$0x0], $0xffff;
	[tilespmem:s28+$0xD0] =	vst v17  }
0x1fa: {  	_ =	sdelay $0x2  }
0x1fb: {  	[tilespmem:s28+$0xE0] =	vst v15  }
0x1fc: {  	[tilespmem:s28+$0x100] =	vst v14;
	v8 =	vld.idx.msk [tilespmem:v8+s16+$0x0], $0xffff  }
0x1fd: {  	[tilespmem:s28+$0x110] =	vst v13;
	v9 =	vld.idx.msk [tilespmem:v9+s16+$0x0], $0xffff  }
0x1fe: {  	v7 =	vld.idx.msk [tilespmem:v7+s16+$0x0], $0xffff;
	[tilespmem:s28+$0x120] =	vst v16  }
0x1ff: {  	[tilespmem:s28+$0x130] =	vst v3;
	v3 =	vld.idx.msk [tilespmem:v6+s16+$0x0], $0xffff  }
0x200: {  	v5 =	vld.idx.msk [tilespmem:v5+s16+$0x0], $0xffff;
	[tilespmem:s28+$0x140] =	vst v10  }
0x201: {  	v4 =	vld.idx.msk [tilespmem:v4+s16+$0x0], $0xffff;
	[tilespmem:s28+$0x150] =	vst v8  }
0x202: {  	v2 =	vld.idx.msk [tilespmem:v2+s16+$0x0], $0xffff;
	[tilespmem:s28+$0x160] =	vst v9  }
0x203: {  	[tilespmem:s28+$0x180] =	vst v7;
	v1 =	vld.idx.msk [tilespmem:v1+s16+$0x0], $0xffff  }
0x204: {  	v0 =	vld.idx.msk [tilespmem:v0+s16+$0x0], $0xffff;
	[tilespmem:s29+$0x190] =	vst v3  }
0x205: {  	[tilespmem:s29+$0x1A0] =	vst v5  }
0x206: {  	[tilespmem:s29+$0x1B0] =	vst v4  }
0x207: {  	[tilespmem:s29+$0x1C0] =	vst v2  }
0x208: {  	s26 =	sadd.s32 s13, s26;
	[tilespmem:s29+$0x1D0] =	vst v1  }
0x209: {  	s2 =	sadd.s32 s4, s26;
	[tilespmem:s29+$0x1E0] =	vst v0  }
0x20a: {  	[hbm4b:s2+s5] =	stream.linear.scatter [tilespmem:s18], [sflag:$0x3], $0x4000, $0x38;
	[tilespmem:$0x19000] =	vst v63  }
0x20b: {  	_ =	swait.ge [sflag:s22], $0x4000  }
0x20c: {  	[sflag:s22] =	ssyncset.done $0x0  }
0x20d: {  	s31 =	simm.s32 $0x870;
	[sflag:s22] =	ssyncadd.s32 $0xFFFFC000  }
0x20e: {  	v0 =	vld [tilespmem:s31+$0x0];
	_ =	sdelay $0x3  }
0x20f: {  	v1 =	vld [tilespmem:s31+$0xFFFFFFA0]  }
0x210: {  	v2 =	vshll.u32 v0, $0x3  }
0x211: {  	v3 =	vld [tilespmem:s31+$0xFFFFFFB0];
	v0 =	vand.u32 $0x7F, v0;
	v2 =	vand.u32 $0xFFFFFC00, v2  }
0x212: {  	v5 =	vld [tilespmem:s31+$0xFFFFFF90];
	v4 =	vor.u32 v0, v2;
	_ =	sdelay $0x1  }
0x213: {  	v2 =	vld [tilespmem:s31+$0xFFFFFFC0];
	v0 =	vshll.u32 v1, $0x3  }
0x214: {  	v7 =	vld [tilespmem:s31+$0xFFFFFFE0];
	v1 =	vand.u32 $0x7F, v1;
	v8 =	vand.u32 $0xFFFFFC00, v0  }
0x215: {  	v6 =	vld [tilespmem:s31+$0xFFFFFFD0];
	v0 =	vshll.u32 v3, $0x3;
	v1 =	vor.u32 v1, v8  }
0x216: {  	v11 =	vor.u32 $0x80, v4;
	v9 =	vand.u32 $0xFFFFFC00, v0;
	v0 =	vshll.u32 v5, $0x3;
	v10 =	vld.idx.msk [tilespmem:v4+s16+$0x0], $0xffff  }
0x217: {  	v12 =	vld [tilespmem:s31+$0xFFFFFFF0];
	v3 =	vand.u32 $0x7F, v3;
	v5 =	vand.u32 $0x7F, v5;
	v0 =	vand.u32 $0xFFFFFC00, v0  }
0x218: {  	v0 =	vor.u32 v5, v0;
	v13 =	vshll.u32 v2, $0x3;
	v8 =	vand.u32 $0x7F, v2  }
0x219: {  	v2 =	vor.u32 v3, v9;
	v9 =	vshll.u32 v7, $0x3;
	v5 =	vand.u32 $0xFFFFFC00, v13  }
0x21a: {  	s28 =	simm.s32 $0x15200;
	v13 =	vshll.u32 v6, $0x3;
	v3 =	vor.u32 v8, v5;
	v5 =	vand.u32 $0xFFFFFC00, v9;
	v9 =	vld.idx.msk [tilespmem:v1+s16+$0x0], $0xffff  }
0x21b: {  	v15 =	vor.u32 $0x80, v1;
	v6 =	vand.u32 $0x7F, v6;
	v13 =	vand.u32 $0xFFFFFC00, v13;
	[tilespmem:s28+$0xFFFFFE70] =	vst v10  }
0x21c: {  	v7 =	vand.u32 $0x7F, v7;
	v8 =	vshll.u32 v12, $0x3;
	v10 =	vor.u32 v6, v13;
	v6 =	vld.idx.msk [tilespmem:v11+s16+$0x0], $0xffff  }
0x21d: {  	v11 =	vor.u32 v7, v5;
	v5 =	vld.idx.msk [tilespmem:v0+s16+$0x0], $0xffff;
	v7 =	vand.u32 $0xFFFFFC00, v8;
	v8 =	vand.u32 $0x7F, v12  }
0x21e: {  	v13 =	vor.u32 $0x100, v4;
	v12 =	vor.u32 v8, v7;
	v7 =	vld.idx.msk [tilespmem:v2+s16+$0x0], $0xffff  }
0x21f: {  	v8 =	vor.u32 $0x80, v0;
	v14 =	vld.idx.msk [tilespmem:v3+s16+$0x0], $0xffff;
	[tilespmem:s28+$0xFFFFFE10] =	vst v9  }
0x220: {  	v15 =	vld.idx.msk [tilespmem:v15+s16+$0x0], $0xffff  }
0x221: {  	v17 =	vor.u32 $0x80, v2;
	v16 =	vld.idx.msk [tilespmem:v10+s16+$0x0], $0xffff  }
0x222: {  	v18 =	vld.idx.msk [tilespmem:v11+s16+$0x0], $0xffff;
	[tilespmem:s28+$0xFFFFFEF0] =	vst v6;
	v6 =	vor.u32 $0x80, v3  }
0x223: {  	[tilespmem:s28+$0xFFFFFE00] =	vst v5;
	v5 =	vld.idx.msk [tilespmem:v13+s16+$0x0], $0xffff;
	v13 =	vor.u32 $0x80, v10  }
0x224: {  	v19 =	vor.u32 $0x80, v11;
	v8 =	vld.idx.msk [tilespmem:v8+s16+$0x0], $0xffff;
	[tilespmem:s28+$0xFFFFFE20] =	vst v7  }
0x225: {  	v9 =	vld.idx.msk [tilespmem:v12+s16+$0x0], $0xffff;
	v7 =	vor.u32 $0x180, v4;
	[tilespmem:s28+$0xFFFFFE30] =	vst v14  }
0x226: {  	v14 =	vor.u32 $0x80, v12;
	v17 =	vld.idx.msk [tilespmem:v17+s16+$0x0], $0xffff;
	[tilespmem:s28+$0xFFFFFE40] =	vst v16  }
0x227: {  	v16 =	vor.u32 $0x100, v0;
	v6 =	vld.idx.msk [tilespmem:v6+s16+$0x0], $0xffff;
	[tilespmem:s28+$0xFFFFFE50] =	vst v18  }
0x228: {  	v18 =	vor.u32 $0x100, v1;
	v13 =	vld.idx.msk [tilespmem:v13+s16+$0x0], $0xffff;
	[tilespmem:s28+$0xFFFFFF70] =	vst v5  }
0x229: {  	v5 =	vor.u32 $0x100, v2;
	[tilespmem:s28+$0xFFFFFE80] =	vst v8;
	v8 =	vld.idx.msk [tilespmem:v19+s16+$0x0], $0xffff  }
0x22a: {  	[tilespmem:s28+$0xFFFFFE60] =	vst v9;
	v9 =	vor.u32 $0x100, v3;
	v7 =	vld.idx.msk [tilespmem:v7+s16+$0x0], $0xffff  }
0x22b: {  	[tilespmem:s28+$0xFFFFFE90] =	vst v15;
	v19 =	vor.u32 $0x100, v10;
	v14 =	vld.idx.msk [tilespmem:v14+s16+$0x0], $0xffff  }
0x22c: {  	[tilespmem:s28+$0xFFFFFEA0] =	vst v17;
	v17 =	vor.u32 $0x100, v11;
	v16 =	vld.idx.msk [tilespmem:v16+s16+$0x0], $0xffff  }
0x22d: {  	v15 =	vor.u32 $0x200, v4;
	v18 =	vld.idx.msk [tilespmem:v18+s16+$0x0], $0xffff;
	[tilespmem:s28+$0xFFFFFEB0] =	vst v6  }
0x22e: {  	v6 =	vor.u32 $0x100, v12;
	v5 =	vld.idx.msk [tilespmem:v5+s16+$0x0], $0xffff;
	[tilespmem:s28+$0xFFFFFEC0] =	vst v13  }
0x22f: {  	v13 =	vor.u32 $0x180, v0;
	v9 =	vld.idx.msk [tilespmem:v9+s16+$0x0], $0xffff;
	[tilespmem:s28+$0xFFFFFED0] =	vst v8  }
0x230: {  	[tilespmem:s28+$0xFFFFFFF0] =	vst v7;
	v7 =	vor.u32 $0x180, v1;
	v19 =	vld.idx.msk [tilespmem:v19+s16+$0x0], $0xffff  }
0x231: {  	[tilespmem:s28+$0xFFFFFEE0] =	vst v14;
	v14 =	vld.idx.msk [tilespmem:v17+s16+$0x0], $0xffff;
	v17 =	vor.u32 $0x180, v3  }
0x232: {  	v8 =	vld.idx.msk [tilespmem:v15+s16+$0x0], $0xffff;
	v15 =	vor.u32 $0x180, v2;
	[tilespmem:s28+$0xFFFFFF00] =	vst v16  }
0x233: {  	v16 =	vor.u32 $0x280, v4;
	[tilespmem:s28+$0xFFFFFF10] =	vst v18;
	v6 =	vld.idx.msk [tilespmem:v6+s16+$0x0], $0xffff  }
0x234: {  	v18 =	vor.u32 $0x180, v10;
	v13 =	vld.idx.msk [tilespmem:v13+s16+$0x0], $0xffff;
	[tilespmem:s28+$0xFFFFFF20] =	vst v5  }
0x235: {  	v5 =	vor.u32 $0x180, v11;
	[tilespmem:s28+$0xFFFFFF30] =	vst v9;
	v7 =	vld.idx.msk [tilespmem:v7+s16+$0x0], $0xffff  }
0x236: {  	v9 =	vor.u32 $0x180, v12;
	[tilespmem:s28+$0xFFFFFF40] =	vst v19;
	v17 =	vld.idx.msk [tilespmem:v17+s16+$0x0], $0xffff  }
0x237: {  	v15 =	vld.idx.msk [tilespmem:v15+s16+$0x0], $0xffff;
	[tilespmem:s28+$0x70] =	vst v8;
	v8 =	vor.u32 $0x200, v0  }
0x238: {  	v19 =	vor.u32 $0x200, v1;
	[tilespmem:s28+$0xFFFFFF50] =	vst v14;
	v16 =	vld.idx.msk [tilespmem:v16+s16+$0x0], $0xffff  }
0x239: {  	v14 =	vld.idx.msk [tilespmem:v18+s16+$0x0], $0xffff;
	[tilespmem:s28+$0xFFFFFF60] =	vst v6;
	v6 =	vor.u32 $0x300, v4  }
0x23a: {  	v18 =	vor.u32 $0x200, v2;
	[tilespmem:s28+$0xFFFFFF80] =	vst v13;
	v5 =	vld.idx.msk [tilespmem:v5+s16+$0x0], $0xffff  }
0x23b: {  	v13 =	vor.u32 $0x200, v3;
	[tilespmem:s28+$0xFFFFFF90] =	vst v7;
	v7 =	vld.idx.msk [tilespmem:v9+s16+$0x0], $0xffff  }
0x23c: {  	v9 =	vor.u32 $0x200, v10;
	v8 =	vld.idx.msk [tilespmem:v8+s16+$0x0], $0xffff;
	[tilespmem:s28+$0xFFFFFFA0] =	vst v15  }
0x23d: {  	v15 =	vor.u32 $0x200, v11;
	v19 =	vld.idx.msk [tilespmem:v19+s16+$0x0], $0xffff;
	[tilespmem:s28+$0xF0] =	vst v16  }
0x23e: {  	[tilespmem:s28+$0xFFFFFFB0] =	vst v17;
	v16 =	vor.u32 $0x200, v12;
	v6 =	vld.idx.msk [tilespmem:v6+s16+$0x0], $0xffff  }
0x23f: {  	v17 =	vor.u32 $0x280, v0;
	v18 =	vld.idx.msk [tilespmem:v18+s16+$0x0], $0xffff;
	[tilespmem:s28+$0xFFFFFFC0] =	vst v14  }
0x240: {  	v4 =	vor.u32 $0x380, v4;
	v13 =	vld.idx.msk [tilespmem:v13+s16+$0x0], $0xffff;
	[tilespmem:s28+$0xFFFFFFD0] =	vst v5  }
0x241: {  	v5 =	vor.u32 $0x280, v1;
	v9 =	vld.idx.msk [tilespmem:v9+s16+$0x0], $0xffff;
	[tilespmem:s28+$0xFFFFFFE0] =	vst v7  }
0x242: {  	v7 =	vor.u32 $0x280, v2;
	[tilespmem:s28+$0x0] =	vst v8;
	v8 =	vld.idx.msk [tilespmem:v15+s16+$0x0], $0xffff  }
0x243: {  	v14 =	vor.u32 $0x280, v3;
	[tilespmem:s28+$0x10] =	vst v19;
	v15 =	vld.idx.msk [tilespmem:v16+s16+$0x0], $0xffff  }
0x244: {  	v16 =	vor.u32 $0x280, v10;
	v17 =	vld.idx.msk [tilespmem:v17+s16+$0x0], $0xffff;
	[tilespmem:s28+$0x170] =	vst v6  }
0x245: {  	v6 =	vor.u32 $0x280, v11;
	[tilespmem:s28+$0x20] =	vst v18;
	v4 =	vld.idx.msk [tilespmem:v4+s16+$0x0], $0xffff  }
0x246: {  	v18 =	vor.u32 $0x280, v12;
	v5 =	vld.idx.msk [tilespmem:v5+s16+$0x0], $0xffff;
	[tilespmem:s28+$0x30] =	vst v13  }
0x247: {  	v13 =	vor.u32 $0x300, v0;
	v7 =	vld.idx.msk [tilespmem:v7+s16+$0x0], $0xffff;
	[tilespmem:s28+$0x40] =	vst v9  }
0x248: {  	v9 =	vor.u32 $0x300, v1;
	v19 =	vld.idx.msk [tilespmem:v14+s16+$0x0], $0xffff;
	[tilespmem:s28+$0x50] =	vst v8  }
0x249: {  	v20 =	vor.u32 $0x300, v2;
	v21 =	vld.idx.msk [tilespmem:v16+s16+$0x0], $0xffff;
	[tilespmem:s28+$0x60] =	vst v15  }
0x24a: {  	v22 =	vor.u32 $0x300, v3;
	[tilespmem:s28+$0x80] =	vst v17;
	v17 =	vld.idx.msk [tilespmem:v6+s16+$0x0], $0xffff  }
0x24b: {  	v23 =	vor.u32 $0x300, v10;
	v15 =	vld.idx.msk [tilespmem:v18+s16+$0x0], $0xffff;
	[tilespmem:s28+$0x1F0] =	vst v4  }
0x24c: {  	v14 =	vld.idx.msk [tilespmem:v13+s16+$0x0], $0xffff;
	[tilespmem:s28+$0x90] =	vst v5  }
0x24d: {  	v13 =	vld.idx.msk [tilespmem:v9+s16+$0x0], $0xffff;
	[tilespmem:s28+$0xA0] =	vst v7  }
0x24e: {  	v8 =	vor.u32 $0x300, v11;
	v6 =	vor.u32 $0x380, v1;
	v1 =	vor.u32 $0x380, v11;
	[tilespmem:s28+$0xB0] =	vst v19;
	v16 =	vld.idx.msk [tilespmem:v20+s16+$0x0], $0xffff  }
0x24f: {  	v5 =	vor.u32 $0x380, v2;
	v4 =	vor.u32 $0x380, v3;
	v2 =	vor.u32 $0x380, v10;
	v3 =	vld.idx.msk [tilespmem:v22+s16+$0x0], $0xffff;
	[tilespmem:s28+$0xC0] =	vst v21  }
0x250: {  	s30 =	simm.s32 $0x0;
	s29 =	simm.s32 $0x15200;
	s2 =	simm.s32 $0x8F0;
	v7 =	vor.u32 $0x380, v0;
	v9 =	vor.u32 $0x300, v12;
	v0 =	vor.u32 $0x380, v12;
	v10 =	vld.idx.msk [tilespmem:v23+s16+$0x0], $0xffff;
	[tilespmem:s28+$0xD0] =	vst v17  }
.LBB2_9:
0x251: {  	v11 =	vld [tilespmem:s2+$0x0];
	s30 =	sadd.s32 $0x8, s30;
	[tilespmem:s28+$0xE0] =	vst v15  }
0x252: {  	v12 =	vld [tilespmem:s2+$0xFFFFFFA0];
	p1 =	slt.u32 s30, $0x78;
	[tilespmem:s28+$0x100] =	vst v14  }
0x253: {  	v14 =	vld [tilespmem:s2+$0xFFFFFFB0];
	[tilespmem:s28+$0x110] =	vst v13  }
0x254: {  	v13 =	vld [tilespmem:s2+$0xFFFFFFC0];
	[tilespmem:s28+$0x120] =	vst v16  }
0x255: {  	v15 =	vld [tilespmem:s2+$0xFFFFFFD0];
	[tilespmem:s28+$0x130] =	vst v3  }
0x256: {  	v16 =	vld [tilespmem:s2+$0xFFFFFFE0];
	v3 =	vshll.u32 v11, $0x3;
	[tilespmem:s28+$0x140] =	vst v10  }
0x257: {  	v11 =	vand.u32 $0x7F, v11;
	v10 =	vshll.u32 v12, $0x3;
	v17 =	vld [tilespmem:s2+$0xFFFFFFF0];
	v3 =	vand.u32 $0xFFFFFC00, v3  }
0x258: {  	v18 =	vld [tilespmem:s2+$0xFFFFFF90];
	v10 =	vand.u32 $0xFFFFFC00, v10;
	v19 =	vshll.u32 v14, $0x3;
	v3 =	vor.u32 v11, v3  }
0x259: {  	v11 =	vand.u32 $0x7F, v12;
	v12 =	vand.u32 $0xFFFFFC00, v19;
	v19 =	vshll.u32 v13, $0x3;
	v8 =	vld.idx.msk [tilespmem:v8+s16+$0x0], $0xffff  }
0x25a: {  	v14 =	vand.u32 $0x7F, v14;
	v19 =	vand.u32 $0xFFFFFC00, v19;
	v20 =	vshll.u32 v15, $0x3;
	v9 =	vld.idx.msk [tilespmem:v9+s16+$0x0], $0xffff  }
0x25b: {  	v13 =	vand.u32 $0x7F, v13;
	v20 =	vand.u32 $0xFFFFFC00, v20;
	v21 =	vshll.u32 v16, $0x3;
	v7 =	vld.idx.msk [tilespmem:v7+s16+$0x0], $0xffff  }
0x25c: {  	v15 =	vand.u32 $0x7F, v15;
	v21 =	vand.u32 $0xFFFFFC00, v21;
	v22 =	vshll.u32 v17, $0x3;
	v6 =	vld.idx.msk [tilespmem:v6+s16+$0x0], $0xffff  }
0x25d: {  	v23 =	vand.u32 $0x7F, v18;
	v18 =	vshll.u32 v18, $0x3;
	v22 =	vand.u32 $0xFFFFFC00, v22;
	v24 =	vld.idx.msk [tilespmem:v3+s16+$0x0], $0xffff  }
0x25e: {  	v16 =	vand.u32 $0x7F, v16;
	v17 =	vand.u32 $0x7F, v17;
	v18 =	vand.u32 $0xFFFFFC00, v18;
	v5 =	vld.idx.msk [tilespmem:v5+s16+$0x0], $0xffff  }
0x25f: {  	v25 =	vor.u32 v11, v10;
	v10 =	vor.u32 $0x80, v3;
	v23 =	vor.u32 v23, v18;
	v4 =	vld.idx.msk [tilespmem:v4+s16+$0x0], $0xffff;
	[tilespmem:s28+$0x150] =	vst v8  }
0x260: {  	v26 =	vor.u32 v14, v12;
	v27 =	vor.u32 v13, v19;
	v28 =	vor.u32 v15, v20;
	[tilespmem:s28+$0x160] =	vst v9  }
0x261: {  	v21 =	vor.u32 v16, v21;
	v22 =	vor.u32 v17, v22;
	v8 =	vor.u32 $0x80, v23;
	[tilespmem:s28+$0x180] =	vst v7;
	v2 =	vld.idx.msk [tilespmem:v2+s16+$0x0], $0xffff  }
0x262: {  	v29 =	vor.u32 $0x80, v27;
	v9 =	vor.u32 $0x80, v26;
	v7 =	vor.u32 $0x80, v25;
	s28 =	sadd.s32 $0x400, s28;
	[tilespmem:s29+$0x190] =	vst v6;
	v1 =	vld.idx.msk [tilespmem:v1+s16+$0x0], $0xffff  }
0x263: {  	v30 =	vor.u32 $0x80, v28;
	v31 =	vor.u32 $0x80, v21;
	v32 =	vor.u32 $0x80, v22;
	[tilespmem:s28+$0xFFFFFE70] =	vst v24;
	v0 =	vld.idx.msk [tilespmem:v0+s16+$0x0], $0xffff  }
0x264: {  	v33 =	vor.u32 $0x100, v25;
	v34 =	vor.u32 $0x100, v26;
	v24 =	vor.u32 $0x100, v23;
	v6 =	vld.idx.msk [tilespmem:v10+s16+$0x0], $0xffff;
	[tilespmem:s29+$0x1A0] =	vst v5  }
0x265: {  	v35 =	vor.u32 $0x100, v27;
	v36 =	vor.u32 $0x100, v28;
	v37 =	vor.u32 $0x100, v21;
	v5 =	vld.idx.msk [tilespmem:v23+s16+$0x0], $0xffff;
	[tilespmem:s29+$0x1B0] =	vst v4  }
0x266: {  	v39 =	vor.u32 $0x100, v22;
	v38 =	vor.u32 $0x180, v23;
	v10 =	vor.u32 $0x100, v3;
	v4 =	vld.idx.msk [tilespmem:v25+s16+$0x0], $0xffff  }
0x267: {  	v40 =	vor.u32 $0x180, v25;
	v41 =	vor.u32 $0x180, v26;
	v42 =	vor.u32 $0x180, v27;
	v11 =	vld.idx.msk [tilespmem:v26+s16+$0x0], $0xffff;
	[tilespmem:s29+$0x1C0] =	vst v2  }
0x268: {  	v43 =	vor.u32 $0x180, v28;
	v44 =	vor.u32 $0x180, v21;
	v45 =	vor.u32 $0x180, v22;
	v2 =	vld.idx.msk [tilespmem:v27+s16+$0x0], $0xffff;
	[tilespmem:s29+$0x1D0] =	vst v1  }
0x269: {  	v47 =	vor.u32 $0x200, v25;
	v48 =	vor.u32 $0x200, v26;
	v46 =	vor.u32 $0x200, v23;
	v1 =	vld.idx.msk [tilespmem:v28+s16+$0x0], $0xffff;
	[tilespmem:s29+$0x1E0] =	vst v0;
	s29 =	smov.u32 s28  }
0x26a: {  	v49 =	vor.u32 $0x200, v27;
	v50 =	vor.u32 $0x200, v28;
	v51 =	vor.u32 $0x200, v21;
	v0 =	vld.idx.msk [tilespmem:v21+s16+$0x0], $0xffff;
	[tilespmem:s28+$0xFFFFFEF0] =	vst v6  }
0x26b: {  	v18 =	vor.u32 $0x280, v25;
	v53 =	vor.u32 $0x200, v22;
	v52 =	vor.u32 $0x280, v23;
	[tilespmem:s28+$0xFFFFFE00] =	vst v5;
	v54 =	vld.idx.msk [tilespmem:v10+s16+$0x0], $0xffff  }
0x26c: {  	v20 =	vor.u32 $0x280, v26;
	v19 =	vor.u32 $0x280, v27;
	v15 =	vor.u32 $0x280, v28;
	[tilespmem:s28+$0xFFFFFE10] =	vst v4;
	v55 =	vld.idx.msk [tilespmem:v22+s16+$0x0], $0xffff  }
0x26d: {  	v57 =	vor.u32 $0x180, v3;
	v17 =	vor.u32 $0x280, v21;
	v16 =	vor.u32 $0x280, v22;
	v56 =	vld.idx.msk [tilespmem:v8+s16+$0x0], $0xffff;
	[tilespmem:s28+$0xFFFFFE20] =	vst v11  }
0x26e: {  	v13 =	vor.u32 $0x300, v25;
	v14 =	vor.u32 $0x300, v23;
	v10 =	vor.u32 $0x300, v26;
	v58 =	vld.idx.msk [tilespmem:v7+s16+$0x0], $0xffff;
	[tilespmem:s28+$0xFFFFFE30] =	vst v2  }
0x26f: {  	v12 =	vor.u32 $0x300, v27;
	v11 =	vor.u32 $0x300, v28;
	v8 =	vor.u32 $0x300, v21;
	v59 =	vld.idx.msk [tilespmem:v9+s16+$0x0], $0xffff;
	[tilespmem:s28+$0xFFFFFE40] =	vst v1  }
0x270: {  	v6 =	vor.u32 $0x380, v25;
	v7 =	vor.u32 $0x380, v23;
	v9 =	vor.u32 $0x300, v22;
	v23 =	vld.idx.msk [tilespmem:v29+s16+$0x0], $0xffff;
	[tilespmem:s28+$0xFFFFFE50] =	vst v0  }
0x271: {  	v5 =	vor.u32 $0x380, v26;
	v4 =	vor.u32 $0x380, v27;
	v2 =	vor.u32 $0x380, v28;
	v25 =	vld.idx.msk [tilespmem:v30+s16+$0x0], $0xffff;
	[tilespmem:s28+$0xFFFFFF70] =	vst v54  }
0x272: {  	v1 =	vor.u32 $0x380, v21;
	v0 =	vor.u32 $0x380, v22;
	[tilespmem:s28+$0xFFFFFE60] =	vst v55;
	v21 =	vld.idx.msk [tilespmem:v57+s16+$0x0], $0xffff  }
0x273: {  	[tilespmem:s28+$0xFFFFFE80] =	vst v56;
	v22 =	vld.idx.msk [tilespmem:v31+s16+$0x0], $0xffff  }
0x274: {  	v27 =	vor.u32 $0x200, v3;
	[tilespmem:s28+$0xFFFFFE90] =	vst v58;
	v26 =	vld.idx.msk [tilespmem:v32+s16+$0x0], $0xffff  }
0x275: {  	v24 =	vld.idx.msk [tilespmem:v24+s16+$0x0], $0xffff;
	[tilespmem:s28+$0xFFFFFEA0] =	vst v59  }
0x276: {  	v28 =	vld.idx.msk [tilespmem:v33+s16+$0x0], $0xffff;
	[tilespmem:s28+$0xFFFFFEB0] =	vst v23  }
0x277: {  	v23 =	vld.idx.msk [tilespmem:v34+s16+$0x0], $0xffff;
	[tilespmem:s28+$0xFFFFFEC0] =	vst v25  }
0x278: {  	v25 =	vld.idx.msk [tilespmem:v35+s16+$0x0], $0xffff;
	[tilespmem:s28+$0xFFFFFFF0] =	vst v21  }
0x279: {  	[tilespmem:s28+$0xFFFFFED0] =	vst v22;
	v21 =	vld.idx.msk [tilespmem:v27+s16+$0x0], $0xffff  }
0x27a: {  	v22 =	vld.idx.msk [tilespmem:v36+s16+$0x0], $0xffff;
	[tilespmem:s28+$0xFFFFFEE0] =	vst v26  }
0x27b: {  	v26 =	vor.u32 $0x280, v3;
	[tilespmem:s28+$0xFFFFFF00] =	vst v24;
	v24 =	vld.idx.msk [tilespmem:v37+s16+$0x0], $0xffff  }
0x27c: {  	[tilespmem:s28+$0xFFFFFF10] =	vst v28;
	v27 =	vld.idx.msk [tilespmem:v39+s16+$0x0], $0xffff  }
0x27d: {  	v28 =	vld.idx.msk [tilespmem:v38+s16+$0x0], $0xffff;
	[tilespmem:s28+$0xFFFFFF20] =	vst v23  }
0x27e: {  	v23 =	vld.idx.msk [tilespmem:v40+s16+$0x0], $0xffff;
	[tilespmem:s28+$0xFFFFFF30] =	vst v25  }
0x27f: {  	v25 =	vld.idx.msk [tilespmem:v41+s16+$0x0], $0xffff;
	[tilespmem:s28+$0x70] =	vst v21  }
0x280: {  	[tilespmem:s28+$0xFFFFFF40] =	vst v22;
	v21 =	vld.idx.msk [tilespmem:v26+s16+$0x0], $0xffff  }
0x281: {  	v22 =	vld.idx.msk [tilespmem:v42+s16+$0x0], $0xffff;
	[tilespmem:s28+$0xFFFFFF50] =	vst v24  }
0x282: {  	v26 =	vor.u32 $0x300, v3;
	v24 =	vld.idx.msk [tilespmem:v43+s16+$0x0], $0xffff;
	[tilespmem:s28+$0xFFFFFF60] =	vst v27  }
0x283: {  	[tilespmem:s28+$0xFFFFFF80] =	vst v28;
	v27 =	vld.idx.msk [tilespmem:v44+s16+$0x0], $0xffff  }
0x284: {  	[tilespmem:s28+$0xFFFFFF90] =	vst v23;
	v23 =	vld.idx.msk [tilespmem:v45+s16+$0x0], $0xffff  }
0x285: {  	v28 =	vld.idx.msk [tilespmem:v46+s16+$0x0], $0xffff;
	[tilespmem:s28+$0xFFFFFFA0] =	vst v25  }
0x286: {  	v25 =	vld.idx.msk [tilespmem:v47+s16+$0x0], $0xffff;
	[tilespmem:s28+$0xF0] =	vst v21  }
0x287: {  	[tilespmem:s28+$0xFFFFFFB0] =	vst v22;
	v21 =	vld.idx.msk [tilespmem:v26+s16+$0x0], $0xffff  }
0x288: {  	v22 =	vld.idx.msk [tilespmem:v48+s16+$0x0], $0xffff;
	[tilespmem:s28+$0xFFFFFFC0] =	vst v24  }
0x289: {  	v3 =	vor.u32 $0x380, v3;
	v24 =	vld.idx.msk [tilespmem:v49+s16+$0x0], $0xffff;
	[tilespmem:s28+$0xFFFFFFD0] =	vst v27  }
0x28a: {  	v26 =	vld.idx.msk [tilespmem:v50+s16+$0x0], $0xffff;
	[tilespmem:s28+$0xFFFFFFE0] =	vst v23  }
0x28b: {  	[tilespmem:s28+$0x0] =	vst v28;
	v23 =	vld.idx.msk [tilespmem:v51+s16+$0x0], $0xffff  }
0x28c: {  	[tilespmem:s28+$0x10] =	vst v25;
	v25 =	vld.idx.msk [tilespmem:v53+s16+$0x0], $0xffff  }
0x28d: {  	v27 =	vld.idx.msk [tilespmem:v52+s16+$0x0], $0xffff;
	[tilespmem:s28+$0x170] =	vst v21  }
0x28e: {  	[tilespmem:s28+$0x20] =	vst v22;
	v3 =	vld.idx.msk [tilespmem:v3+s16+$0x0], $0xffff  }
0x28f: {  	v18 =	vld.idx.msk [tilespmem:v18+s16+$0x0], $0xffff;
	[tilespmem:s28+$0x30] =	vst v24  }
0x290: {  	v20 =	vld.idx.msk [tilespmem:v20+s16+$0x0], $0xffff;
	[tilespmem:s28+$0x40] =	vst v26  }
0x291: {  	v19 =	vld.idx.msk [tilespmem:v19+s16+$0x0], $0xffff;
	[tilespmem:s28+$0x50] =	vst v23  }
0x292: {  	v21 =	vld.idx.msk [tilespmem:v15+s16+$0x0], $0xffff;
	[tilespmem:s28+$0x60] =	vst v25  }
0x293: {  	[tilespmem:s28+$0x80] =	vst v27;
	v17 =	vld.idx.msk [tilespmem:v17+s16+$0x0], $0xffff  }
0x294: {  	v15 =	vld.idx.msk [tilespmem:v16+s16+$0x0], $0xffff;
	[tilespmem:s28+$0x1F0] =	vst v3  }
.Ltmp5:
0x295: {  	v14 =	vld.idx.msk [tilespmem:v14+s16+$0x0], $0xffff;
	[tilespmem:s28+$0x90] =	vst v18;
	(pc) =	sbr.rel @p1 .LBB2_9-.Ltmp5, $4  }
0x296: {  	v13 =	vld.idx.msk [tilespmem:v13+s16+$0x0], $0xffff;
	[tilespmem:s28+$0xA0] =	vst v20  }
0x297: {  	v16 =	vld.idx.msk [tilespmem:v10+s16+$0x0], $0xffff;
	[tilespmem:s28+$0xB0] =	vst v19  }
0x298: {  	v3 =	vld.idx.msk [tilespmem:v12+s16+$0x0], $0xffff;
	[tilespmem:s28+$0xC0] =	vst v21  }
0x299: {  	s2 =	sadd.s32 $0x80, s2;
	v10 =	vld.idx.msk [tilespmem:v11+s16+$0x0], $0xffff;
	[tilespmem:s28+$0xD0] =	vst v17  }
0x29a: {  	_ =	sdelay $0x2  }
0x29b: {  	[tilespmem:s28+$0xE0] =	vst v15  }
0x29c: {  	[tilespmem:s28+$0x100] =	vst v14;
	v8 =	vld.idx.msk [tilespmem:v8+s16+$0x0], $0xffff  }
0x29d: {  	[tilespmem:s28+$0x110] =	vst v13;
	v9 =	vld.idx.msk [tilespmem:v9+s16+$0x0], $0xffff  }
0x29e: {  	v7 =	vld.idx.msk [tilespmem:v7+s16+$0x0], $0xffff;
	[tilespmem:s28+$0x120] =	vst v16  }
0x29f: {  	v63 =	vld.idx.msk [tilespmem:v6+s16+$0x0], $0xffff;
	[tilespmem:s28+$0x130] =	vst v3  }
0x2a0: {  	v5 =	vld.idx.msk [tilespmem:v5+s16+$0x0], $0xffff;
	[tilespmem:s28+$0x140] =	vst v10  }
0x2a1: {  	v4 =	vld.idx.msk [tilespmem:v4+s16+$0x0], $0xffff;
	[tilespmem:s28+$0x150] =	vst v8  }
0x2a2: {  	v2 =	vld.idx.msk [tilespmem:v2+s16+$0x0], $0xffff;
	[tilespmem:s28+$0x160] =	vst v9  }
0x2a3: {  	[tilespmem:s28+$0x180] =	vst v7;
	v1 =	vld.idx.msk [tilespmem:v1+s16+$0x0], $0xffff  }
0x2a4: {  	[tilespmem:s29+$0x190] =	vst v63;
	v0 =	vld.idx.msk [tilespmem:v0+s16+$0x0], $0xffff  }
0x2a5: {  	[tilespmem:s29+$0x1A0] =	vst v5  }
.Ltmp6:
0x2a6: {  	[tilespmem:s29+$0x1B0] =	vst v4;
	(pc) =	sbr.rel @p0 .LBB2_12-.Ltmp6, $4  }
0x2a7: {  	[tilespmem:s29+$0x1C0] =	vst v2  }
0x2a8: {  	[tilespmem:s29+$0x1D0] =	vst v1  }
0x2a9: {  	s2 =	sadd.s32 s26, s9;
	[tilespmem:s29+$0x1E0] =	vst v0  }
0x2aa: {  	[hbm4b:s2+s5] =	stream.linear.scatter [tilespmem:s19], [sflag:$0x4], $0x4000, $0x38;
	[tilespmem:$0x19000] =	vst v63  }
.Ltmp7:
0x2ab: {  	(pc) =	sbr.rel .LBB2_2-.Ltmp7, $4  }
0x2ac: {  	s2 =	sadd.s32 s25, s11  }
0x2ad: {  	s2 =	sshll.u32 s2, $0xC  }
0x2ae: {  	s24 =	sadd.s32 $0x1, s24;
	s2 =	sadd.s32 s1, s2  }
0x2af: {  	[tilespmem:s16], [sflag:$0x2] =	stream.linear.gather [hbm4b:s2+s5], $0x8000, $0x38;
	[tilespmem:$0x19000] =	vst v63  }
.LBB2_13:
0x2b0: {  	_ =	sfence.sel $0x180000  }
0x2b1: {  	[bflag:$0x0] =	sbarrier.arrive $0xFFFF  }
0x2b2: {  	_ =	strace $0x90000047  }
0x2b3: {  	[bflag:$0x2] =	sbarrier.arrive $0xFFFF  }
0x2b4: {  	p0 =	sne.s32 s0, $0x0;
	s0 =	rddreg [dreg:$0x3]  }
0x2b5: {  	s0 =	sadd.s32 @!p0 $0x100000, s0  }
0x2b6: {  	[sflag:s0] =	ssyncadd.tile.s32 @!p0 $0x1;
	_ =	shalt  }
.Lfunc_end2:
_tile_overlayer_lowered:
.L_overlay_start_2:
0x2b7: {  	(tag) =	ssettag $0x2  }
0x2b8: {  	s0 =	rddreg [dreg:$0x0];
	s2 =	stileid.u32  }
0x2b9: {  	s1 =	rddreg [dreg:$0x1];
	p0 =	sne.s32 s2, $0x0  }
0x2ba: {  	s3 =	rddreg [dreg:$0x2];
	[bflag:$0x3] =	sbarrier.arrive $0xFFFF;
	s2 =	simm.s32 @!p0 $0x1C05  }
0x2bb: {  	[timem:s3], [sflag:s2] =	dma.local @!p0 [hbm:s0], s1  }
0x2bc: {  	s0 =	simm.s32 @!p0 $0x5  }
0x2bd: {  	_ =	swait.ge @!p0 [sflag:s0], s1  }
0x2be: {  	s1 =	ssub.s32 @!p0 $0x0, s1;
	[sflag:s0] =	ssyncset.done @!p0 $0x0  }
0x2bf: {  	[sflag:s0] =	ssyncadd.s32 @!p0 s1  }
0x2c0: {  	[bflag:$0x3] =	sbarrier.arrive $0xFFFF  }
0x2c1: {  	_ =	shalt  }

</sc_bundles>
